<compile_context>
chip_gen: v7x
topology: tpu7x:2x2x1
jax: 0.10.2.dev20260603
libtpu: 0.0.44.dev20260713+nightly
codegen_flags: <defaults>
</compile_context>

<pallas_src>
import functools

import jax
import jax.numpy as jnp
from jax import lax
from jax.experimental import pallas as pl
from jax.experimental.pallas import tpu as pltpu
from jax.experimental.pallas import tpu_sc as plsc

N = 10000
E = 320000
NC = 2
NS = 16
NW = NC * NS
EPW = E // NW
CH = 125
NCH = EPW // CH
SHARE = N // NS

_sc_params = pltpu.CompilerParams(
    needs_layout_passes=False, use_tc_tiling_on_sc=False
)

_vmesh = plsc.VectorSubcoreMesh(
    core_axis_name="c", subcore_axis_name="s", num_cores=NC, num_subcores=NS
)


@functools.partial(
    pl.kernel,
    out_type=(
        jax.ShapeDtypeStruct((NW, N), jnp.float32),
        jax.ShapeDtypeStruct((NW, N), jnp.float32),
    ),
    mesh=_vmesh,
    scratch_types=[
        pltpu.VMEM((EPW,), jnp.int32),
        pltpu.VMEM((EPW,), jnp.int32),
        pltpu.VMEM((N,), jnp.float32),
        pltpu.VMEM((N,), jnp.float32),
        pltpu.SemaphoreType.DMA,
    ],
    compiler_params=_sc_params,
)
def _sc_degrees(src_hbm, dst_hbm, outs_hbm, outd_hbm, slab_s, slab_d, hist_s,
                hist_d, dsem):
    cid = lax.axis_index("c")
    sid = lax.axis_index("s")
    wid = cid * NS + sid
    ones = jnp.ones((16,), jnp.float32)
    zeros = jnp.zeros((16,), jnp.float32)

    cp_s = pltpu.async_copy(src_hbm.at[pl.ds(wid * EPW, EPW)], slab_s, dsem)
    cp_d = pltpu.async_copy(dst_hbm.at[pl.ds(wid * EPW, EPW)], slab_d, dsem)

    @pl.loop(0, N // 80)
    def _(i):
        for u in range(5):
            off = i * 80 + u * 16
            hist_s[pl.ds(off, 16)] = zeros
            hist_d[pl.ds(off, 16)] = zeros

    cp_s.wait()
    cp_d.wait()

    @pl.loop(0, EPW // 80)
    def _(g):
        for u in range(5):
            off = g * 80 + u * 16
            plsc.addupdate_scatter(hist_s, [slab_s[pl.ds(off, 16)]], ones)
            plsc.addupdate_scatter(hist_d, [slab_d[pl.ds(off, 16)]], ones)

    pltpu.sync_copy(hist_s, outs_hbm.at[wid])
    pltpu.sync_copy(hist_d, outd_hbm.at[wid])


K = 10
NG = NCH // K


def _make_sc_agg(F):
    @functools.partial(
        pl.kernel,
        out_type=jax.ShapeDtypeStruct((NC, N, F), jnp.float32),
        mesh=_vmesh,
        scratch_types=[
            pltpu.VMEM((NCH, CH), jnp.int32),
            pltpu.VMEM((NCH, CH), jnp.int32),
            pltpu.VMEM((2, K, CH, F), jnp.float32),
            pltpu.VMEM_SHARED((N, F), jnp.float32),
            pltpu.SemaphoreType.DMA,
            pltpu.SemaphoreType.DMA,
        ],
        compiler_params=_sc_params,
    )
    def _sc_agg(h_hbm, srcs_hbm, dsts_hbm, z_hbm, out_hbm, src_v, dst_v, rows_v,
                acc_sh, gsem, ssem):
        cid = lax.axis_index("c")
        sid = lax.axis_index("s")
        wid = cid * NS + sid

        def drain(sem):
            pltpu.make_async_copy(h_hbm.at[src_v.at[0]], rows_v.at[0, 0], sem).wait()

        pltpu.async_copy(srcs_hbm.at[wid], src_v, gsem)
        pltpu.async_copy(dsts_hbm.at[wid], dst_v, gsem)
        pltpu.make_async_copy(srcs_hbm.at[wid], src_v, gsem).wait()
        pltpu.make_async_copy(dsts_hbm.at[wid], dst_v, gsem).wait()

        @pl.loop(0, K)
        def _(b):
            pltpu.async_copy(h_hbm.at[src_v.at[b]], rows_v.at[0, b], gsem)

        pltpu.sync_copy(z_hbm.at[pl.ds(sid * SHARE, SHARE)],
                        acc_sh.at[pl.ds(sid * SHARE, SHARE)])
        plsc.subcore_barrier()

        @pl.loop(0, NG)
        def _(g):
            half = lax.rem(g, 2)
            other = 1 - half

            @pl.loop(0, K)
            def _(b):
                drain(gsem)

            @pl.when(g > 0)
            def _():
                @pl.loop(0, K)
                def _(b):
                    drain(ssem)

            @pl.when(g < NG - 1)
            def _():
                @pl.loop(0, K)
                def _(b):
                    pltpu.async_copy(h_hbm.at[src_v.at[(g + 1) * K + b]],
                                     rows_v.at[other, b], gsem)

            @pl.loop(0, K)
            def _(b):
                pltpu.async_copy(rows_v.at[half, b],
                                 acc_sh.at[dst_v.at[g * K + b]], ssem,
                                 add=True)

        @pl.loop(0, K)
        def _(b):
            drain(ssem)
        plsc.subcore_barrier()

        pltpu.sync_copy(acc_sh.at[pl.ds(sid * SHARE, SHARE)],
                        out_hbm.at[cid, pl.ds(sid * SHARE, SHARE)])

    return _sc_agg


_sc_agg32 = _make_sc_agg(32)
_sc_agg16 = _make_sc_agg(16)


def _norms_body(ds_ref, dd_ref, h1_ref, ns_ref, nd_ref, h1s_ref):
    s = jnp.sum(ds_ref[...], axis=0) + 1.0
    d = jnp.sum(dd_ref[...], axis=0) + 1.0
    ns = lax.rsqrt(s)[:, None]
    ns_ref[...] = ns
    nd_ref[...] = lax.rsqrt(d)[:, None]
    h1s_ref[...] = h1_ref[...] * ns


_tc_normscale = pl.pallas_call(
    _norms_body,
    out_shape=(
        jax.ShapeDtypeStruct((N, 1), jnp.float32),
        jax.ShapeDtypeStruct((N, 1), jnp.float32),
        jax.ShapeDtypeStruct((N, 32), jnp.float32),
    ),
)

_RB = 2000
_NRB = N // _RB


def _l1_body(x_ref, w_ref, o_ref):
    o_ref[...] = jnp.dot(x_ref[...], w_ref[...],
                         preferred_element_type=jnp.float32)


_tc_matmul1 = pl.pallas_call(
    _l1_body,
    grid=(_NRB,),
    in_specs=[
        pl.BlockSpec((_RB, 128), lambda i: (i, 0)),
        pl.BlockSpec((128, 32), lambda i: (0, 0)),
    ],
    out_specs=pl.BlockSpec((_RB, 32), lambda i: (i, 0)),
    out_shape=jax.ShapeDtypeStruct((N, 32), jnp.float32),
)


def _l2_body(p_ref, h1s_ref, nd_ref, b1_ref, w2_ref, ns_ref, o_ref):
    agg = p_ref[0] + p_ref[1] + h1s_ref[...]
    x2 = jnp.maximum(agg * nd_ref[...] + b1_ref[...], 0.0)
    h2 = jnp.dot(x2, w2_ref[...], preferred_element_type=jnp.float32)
    o_ref[...] = h2 * ns_ref[...]


_tc_layer2 = pl.pallas_call(
    _l2_body,
    grid=(_NRB,),
    in_specs=[
        pl.BlockSpec((NC, _RB, 32), lambda i: (0, i, 0)),
        pl.BlockSpec((_RB, 32), lambda i: (i, 0)),
        pl.BlockSpec((_RB, 1), lambda i: (i, 0)),
        pl.BlockSpec((1, 32), lambda i: (0, 0)),
        pl.BlockSpec((32, 16), lambda i: (0, 0)),
        pl.BlockSpec((_RB, 1), lambda i: (i, 0)),
    ],
    out_specs=pl.BlockSpec((_RB, 16), lambda i: (i, 0)),
    out_shape=jax.ShapeDtypeStruct((N, 16), jnp.float32),
)


def _out_body(p_ref, h2s_ref, nd_ref, b2_ref, o_ref):
    z = (p_ref[0] + p_ref[1] + h2s_ref[...]) * nd_ref[...] + b2_ref[...]
    m = jnp.max(z, axis=1, keepdims=True)
    e = jnp.exp(z - m)
    o_ref[...] = (z - m) - jnp.log(jnp.sum(e, axis=1, keepdims=True))


_tc_out = pl.pallas_call(
    _out_body,
    grid=(_NRB,),
    in_specs=[
        pl.BlockSpec((NC, _RB, 16), lambda i: (0, i, 0)),
        pl.BlockSpec((_RB, 16), lambda i: (i, 0)),
        pl.BlockSpec((_RB, 1), lambda i: (i, 0)),
        pl.BlockSpec((1, 16), lambda i: (0, 0)),
    ],
    out_specs=pl.BlockSpec((_RB, 16), lambda i: (i, 0)),
    out_shape=jax.ShapeDtypeStruct((N, 16), jnp.float32),
)


@jax.jit
def kernel(features, edge_index, W1, b1, W2, b2):
    src = edge_index[0]
    dst = edge_index[1]
    src_slab = src.reshape(NW, NCH, CH)
    dst_slab = dst.reshape(NW, NCH, CH)

    z32 = jnp.zeros((N, 32), jnp.float32)
    z16 = jnp.zeros((N, 16), jnp.float32)

    degs, degd = _sc_degrees(src, dst)
    h1 = _tc_matmul1(features, W1)
    norm_src, norm_dst, h1s = _tc_normscale(degs, degd, h1)
    p1 = _sc_agg32(h1s, src_slab, dst_slab, z32)
    h2s = _tc_layer2(p1, h1s, norm_dst, b1.reshape(1, 32), W2, norm_src)
    p2 = _sc_agg16(h2s, src_slab, dst_slab, z16)
    return _tc_out(p2, h2s, norm_dst, b2.reshape(1, 16))

# --- scband reference (transcript-rebuilt; emitter-appended) ---
"""Pipeline reference for scband-net-12567074308661 (READ-ONLY COPY).

The authoritative reference and input builder live on the scoring server;
editing this copy changes nothing except your own understanding.
"""

import jax, jax.numpy as jnp
import numpy as np

N = 10000
E = 320000
D_IN = 128
HID = 32
NCLS = 16


def setup_inputs(seed: int = 0) -> dict:
    key = jax.random.key(seed)
    k1, k2, k3, k4, k5, k6 = jax.random.split(key, 6)
    features = jax.random.normal(k1, (N, D_IN), dtype=jnp.float32)
    edge_index = jax.random.randint(k2, (2, E), 0, N, dtype=jnp.int32)
    s1 = 1.0 / np.sqrt(D_IN)
    s2 = 1.0 / np.sqrt(HID)
    W1 = jax.random.uniform(k3, (D_IN, HID), dtype=jnp.float32, minval=-s1, maxval=s1)
    b1 = jnp.zeros((HID,), dtype=jnp.float32)
    W2 = jax.random.uniform(k4, (HID, NCLS), dtype=jnp.float32, minval=-s2, maxval=s2)
    b2 = jnp.zeros((NCLS,), dtype=jnp.float32)
    return {"features": features, "edge_index": edge_index, "W1": W1, "b1": b1, "W2": W2, "b2": b2}


def _add_self_loops(edge_index):
    sl = jnp.arange(N, dtype=edge_index.dtype)
    return jnp.concatenate([edge_index, jnp.stack([sl, sl])], axis=1)


def _gcn_layer(edge_index, x, W, b):
    # DGL GraphConv with norm='both': D^{-1/2} A^T D^{-1/2} X W + b
    src, dst = edge_index[0], edge_index[1]
    ones = jnp.ones((edge_index.shape[1],), dtype=jnp.float32)
    deg_out = jnp.zeros((N,), dtype=jnp.float32).at[src].add(ones)
    deg_in = jnp.zeros((N,), dtype=jnp.float32).at[dst].add(ones)
    norm_src = jnp.where(deg_out > 0, jax.lax.rsqrt(jnp.maximum(deg_out, 1.0)), 0.0)
    norm_dst = jnp.where(deg_in > 0, jax.lax.rsqrt(jnp.maximum(deg_in, 1.0)), 0.0)
    h = x @ W
    msg = h[src] * norm_src[src][:, None]
    agg = jnp.zeros((N, h.shape[1]), dtype=h.dtype).at[dst].add(msg)
    return agg * norm_dst[:, None] + b


def reference(features, edge_index, W1, b1, W2, b2):
    ei = _add_self_loops(edge_index)
    x = _gcn_layer(ei, features, W1, b1)
    x = jax.nn.relu(x)
    # F.dropout with training=False (eval mode) is a no-op
    x = _gcn_layer(ei, x, W2, b2)
    return jax.nn.log_softmax(x, axis=1)

if __name__ == "__main__":
    import jax
    _d = setup_inputs()
    print(jax.jit(kernel)(*tuple(_d.values())))

</pallas_src>

<mosaic_0001>
#map = affine_map<(d0, d1) -> (0, 0)>
#map1 = affine_map<(d0, d1) -> (0, 0, 0)>
module attributes {stable_mosaic.version = 14 : i64} {
  func.func @_sc_agg(%arg0: i32, %arg1: i32, %arg2: memref<10000x16xf32, #tpu.memory_space<hbm>>, %arg3: memref<32x80x125xi32, #tpu.memory_space<hbm>>, %arg4: memref<32x80x125xi32, #tpu.memory_space<hbm>>, %arg5: memref<10000x16xf32, #tpu.memory_space<hbm>>, %arg6: memref<2x10000x16xf32, #tpu.memory_space<hbm>>, %arg7: memref<80x125xi32, #tpu.memory_space<vmem>>, %arg8: memref<80x125xi32, #tpu.memory_space<vmem>>, %arg9: memref<2x10x125x16xf32, #tpu.memory_space<vmem>>, %arg10: memref<10000x16xf32, #tpu.memory_space<vmem_shared>>, %arg11: memref<!tpu.dma_semaphore, #tpu.memory_space<semaphore_mem>>, %arg12: memref<!tpu.dma_semaphore, #tpu.memory_space<semaphore_mem>>) attributes {dimension_semantics = [#tpu.dimension_semantics<core_parallel>, #tpu.dimension_semantics<subcore_parallel>], iteration_bounds = array<i64: 2, 16>, scalar_prefetch = 0 : i64, scratch_operands = 6 : i64, tpu.core_type = #tpu.core_type<sc_vector_subcore>, window_params = [{transform_indices = #map}, {transform_indices = #map1}, {transform_indices = #map1}, {transform_indices = #map}, {transform_indices = #map1}]} {
    %mul3A = arith.constant 16 : i32
    %mul3A_0 = arith.muli %arg0, %mul3A : i32
    %add3A = arith.addi %mul3A_0, %arg1 : i32
    %dma_start3A = arith.constant 0 : i32
    %dma_start3A_1 = arith.constant 0 : i32
    %dma_start3A_2 = tpu.memref_slice %arg3[%add3A, %dma_start3A, %dma_start3A_1] : memref<32x80x125xi32, #tpu.memory_space<hbm>> -> memref<1x80x125xi32, #tpu.memory_space<hbm>>
    %dma_start3A_3 = tpu.memref_squeeze %dma_start3A_2 : memref<1x80x125xi32, #tpu.memory_space<hbm>> -> memref<80x125xi32, #tpu.memory_space<hbm>>
    %dma_start3A_4 = arith.constant 0 : i32
    %dma_start3A_5 = arith.constant 0 : i32
    %dma_start3A_6 = tpu.memref_slice %arg3[%add3A, %dma_start3A_4, %dma_start3A_5] : memref<32x80x125xi32, #tpu.memory_space<hbm>> -> memref<1x80x125xi32, #tpu.memory_space<hbm>>
    %dma_start3A_7 = tpu.memref_squeeze %dma_start3A_6 : memref<1x80x125xi32, #tpu.memory_space<hbm>> -> memref<80x125xi32, #tpu.memory_space<hbm>>
    tpu.enqueue_dma source(%dma_start3A_7 : memref<80x125xi32, #tpu.memory_space<hbm>>) target(%arg7 : memref<80x125xi32, #tpu.memory_space<vmem>>) target_semaphore(%arg11 : memref<!tpu.dma_semaphore, #tpu.memory_space<semaphore_mem>>)
    %dma_start3A_8 = arith.constant 0 : i32
    %dma_start3A_9 = arith.constant 0 : i32
    %dma_start3A_10 = tpu.memref_slice %arg4[%add3A, %dma_start3A_8, %dma_start3A_9] : memref<32x80x125xi32, #tpu.memory_space<hbm>> -> memref<1x80x125xi32, #tpu.memory_space<hbm>>
    %dma_start3A_11 = tpu.memref_squeeze %dma_start3A_10 : memref<1x80x125xi32, #tpu.memory_space<hbm>> -> memref<80x125xi32, #tpu.memory_space<hbm>>
    %dma_start3A_12 = arith.constant 0 : i32
    %dma_start3A_13 = arith.constant 0 : i32
    %dma_start3A_14 = tpu.memref_slice %arg4[%add3A, %dma_start3A_12, %dma_start3A_13] : memref<32x80x125xi32, #tpu.memory_space<hbm>> -> memref<1x80x125xi32, #tpu.memory_space<hbm>>
    %dma_start3A_15 = tpu.memref_squeeze %dma_start3A_14 : memref<1x80x125xi32, #tpu.memory_space<hbm>> -> memref<80x125xi32, #tpu.memory_space<hbm>>
    tpu.enqueue_dma source(%dma_start3A_15 : memref<80x125xi32, #tpu.memory_space<hbm>>) target(%arg8 : memref<80x125xi32, #tpu.memory_space<vmem>>) target_semaphore(%arg11 : memref<!tpu.dma_semaphore, #tpu.memory_space<semaphore_mem>>)
    %dma_wait3A = arith.constant 0 : i32
    %dma_wait3A_16 = arith.constant 0 : i32
    %dma_wait3A_17 = tpu.memref_slice %arg3[%add3A, %dma_wait3A, %dma_wait3A_16] : memref<32x80x125xi32, #tpu.memory_space<hbm>> -> memref<1x80x125xi32, #tpu.memory_space<hbm>>
    %dma_wait3A_18 = tpu.memref_squeeze %dma_wait3A_17 : memref<1x80x125xi32, #tpu.memory_space<hbm>> -> memref<80x125xi32, #tpu.memory_space<hbm>>
    %dma_wait3A_19 = arith.constant 0 : i32
    %dma_wait3A_20 = arith.constant 0 : i32
    %dma_wait3A_21 = tpu.memref_slice %arg3[%add3A, %dma_wait3A_19, %dma_wait3A_20] : memref<32x80x125xi32, #tpu.memory_space<hbm>> -> memref<1x80x125xi32, #tpu.memory_space<hbm>>
    %dma_wait3A_22 = tpu.memref_squeeze %dma_wait3A_21 : memref<1x80x125xi32, #tpu.memory_space<hbm>> -> memref<80x125xi32, #tpu.memory_space<hbm>>
    tpu.wait_dma2 semaphore(%arg11 : memref<!tpu.dma_semaphore, #tpu.memory_space<semaphore_mem>>) src(%dma_wait3A_22 : memref<80x125xi32, #tpu.memory_space<hbm>>) dst(%arg7 : memref<80x125xi32, #tpu.memory_space<vmem>>)
    %dma_wait3A_23 = arith.constant 0 : i32
    %dma_wait3A_24 = arith.constant 0 : i32
    %dma_wait3A_25 = tpu.memref_slice %arg4[%add3A, %dma_wait3A_23, %dma_wait3A_24] : memref<32x80x125xi32, #tpu.memory_space<hbm>> -> memref<1x80x125xi32, #tpu.memory_space<hbm>>
    %dma_wait3A_26 = tpu.memref_squeeze %dma_wait3A_25 : memref<1x80x125xi32, #tpu.memory_space<hbm>> -> memref<80x125xi32, #tpu.memory_space<hbm>>
    %dma_wait3A_27 = arith.constant 0 : i32
    %dma_wait3A_28 = arith.constant 0 : i32
    %dma_wait3A_29 = tpu.memref_slice %arg4[%add3A, %dma_wait3A_27, %dma_wait3A_28] : memref<32x80x125xi32, #tpu.memory_space<hbm>> -> memref<1x80x125xi32, #tpu.memory_space<hbm>>
    %dma_wait3A_30 = tpu.memref_squeeze %dma_wait3A_29 : memref<1x80x125xi32, #tpu.memory_space<hbm>> -> memref<80x125xi32, #tpu.memory_space<hbm>>
    tpu.wait_dma2 semaphore(%arg11 : memref<!tpu.dma_semaphore, #tpu.memory_space<semaphore_mem>>) src(%dma_wait3A_30 : memref<80x125xi32, #tpu.memory_space<hbm>>) dst(%arg8 : memref<80x125xi32, #tpu.memory_space<vmem>>)
    %scan3A = arith.constant 0 : i32
    %scan3A_31 = arith.constant 10 : i32
    %scan3A_32 = arith.addi %scan3A, %scan3A_31 : i32
    %scan3A_33 = arith.constant 1 : i32
    scf.for %scan3A_54 = %scan3A to %scan3A_32 step %scan3A_33  : i32 {
      %mul3A_55 = arith.constant 1 : i32
      %mul3A_56 = arith.muli %scan3A_54, %mul3A_55 : i32
      %add3A_57 = arith.constant 0 : i32
      %add3A_58 = arith.addi %add3A_57, %mul3A_56 : i32
      %dma_start3A_59 = arith.constant 0 : i32
      %dma_start3A_60 = arith.constant 0 : i32
      %dma_start3A_61 = arith.constant 0 : i32
      %dma_start3A_62 = tpu.memref_slice %arg9[%dma_start3A_59, %add3A_58, %dma_start3A_60, %dma_start3A_61] : memref<2x10x125x16xf32, #tpu.memory_space<vmem>> -> memref<1x1x125x16xf32, #tpu.memory_space<vmem>>
      %dma_start3A_63 = tpu.memref_squeeze %dma_start3A_62 : memref<1x1x125x16xf32, #tpu.memory_space<vmem>> -> memref<125x16xf32, #tpu.memory_space<vmem>>
      %dma_start3A_64 = arith.constant 0 : i32
      %dma_start3A_65 = tpu.memref_slice %arg7[%add3A_58, %dma_start3A_64] : memref<80x125xi32, #tpu.memory_space<vmem>> -> memref<1x125xi32, #tpu.memory_space<vmem>>
      %dma_start3A_66 = tpu.memref_squeeze %dma_start3A_65 : memref<1x125xi32, #tpu.memory_space<vmem>> -> memref<125xi32, #tpu.memory_space<vmem>>
      %dma_start3A_67 = arith.constant 0 : i32
      %dma_start3A_68 = arith.constant 0 : i32
      %dma_start3A_69 = tpu.memref_slice %arg2[%dma_start3A_67, %dma_start3A_68] : memref<10000x16xf32, #tpu.memory_space<hbm>> -> memref<10000x16xf32, #tpu.memory_space<hbm>>
      tpu.enqueue_indirect_dma source(%dma_start3A_69 : memref<10000x16xf32, #tpu.memory_space<hbm>>) target(%dma_start3A_63 : memref<125x16xf32, #tpu.memory_space<vmem>>) offsets(%dma_start3A_66 : memref<125xi32, #tpu.memory_space<vmem>>) semaphore(%arg11 : memref<!tpu.dma_semaphore, #tpu.memory_space<semaphore_mem>>)
    }
    %scan3A_34 = arith.constant 10 : i32
    %mul3A_35 = arith.constant 625 : i32
    %mul3A_36 = arith.muli %arg1, %mul3A_35 : i32
    %mul3A_37 = arith.constant 625 : i32
    %mul3A_38 = arith.muli %arg1, %mul3A_37 : i32
    "tpu.region"() ({
      %run_scoped3A = tpu.sem_alloc : memref<!tpu.dma_semaphore, #tpu.memory_space<semaphore_mem>>
      %dma_start3A_54 = arith.constant 0 : i32
      %dma_start3A_55 = tpu.memref_slice %arg10[%mul3A_38, %dma_start3A_54] : memref<10000x16xf32, #tpu.memory_space<vmem_shared>> -> memref<625x16xf32, #tpu.memory_space<vmem_shared>>
      %dma_start3A_56 = arith.constant 0 : i32
      %dma_start3A_57 = tpu.memref_slice %arg5[%mul3A_36, %dma_start3A_56] : memref<10000x16xf32, #tpu.memory_space<hbm>> -> memref<625x16xf32, #tpu.memory_space<hbm>>
      tpu.enqueue_dma source(%dma_start3A_57 : memref<625x16xf32, #tpu.memory_space<hbm>>) target(%dma_start3A_55 : memref<625x16xf32, #tpu.memory_space<vmem_shared>>) target_semaphore(%run_scoped3A : memref<!tpu.dma_semaphore, #tpu.memory_space<semaphore_mem>>)
      %dma_wait3A_58 = arith.constant 0 : i32
      %dma_wait3A_59 = tpu.memref_slice %arg10[%mul3A_38, %dma_wait3A_58] : memref<10000x16xf32, #tpu.memory_space<vmem_shared>> -> memref<625x16xf32, #tpu.memory_space<vmem_shared>>
      %dma_wait3A_60 = arith.constant 0 : i32
      %dma_wait3A_61 = tpu.memref_slice %arg5[%mul3A_36, %dma_wait3A_60] : memref<10000x16xf32, #tpu.memory_space<hbm>> -> memref<625x16xf32, #tpu.memory_space<hbm>>
      tpu.wait_dma2 semaphore(%run_scoped3A : memref<!tpu.dma_semaphore, #tpu.memory_space<semaphore_mem>>) src(%dma_wait3A_61 : memref<625x16xf32, #tpu.memory_space<hbm>>) dst(%dma_wait3A_59 : memref<625x16xf32, #tpu.memory_space<vmem_shared>>)
      tpu.yield
    }) : () -> ()
    %barrier3A = arith.constant 0 : index
    tpu.barrier barrier_id(%barrier3A)
    %scan3A_39 = arith.constant 0 : i32
    %scan3A_40 = arith.constant 8 : i32
    %scan3A_41 = arith.addi %scan3A_39, %scan3A_40 : i32
    %scan3A_42 = arith.constant 1 : i32
    scf.for %scan3A_54 = %scan3A_39 to %scan3A_41 step %scan3A_42  : i32 {
      %mul3A_55 = arith.constant 1 : i32
      %mul3A_56 = arith.muli %scan3A_54, %mul3A_55 : i32
      %add3A_57 = arith.constant 0 : i32
      %add3A_58 = arith.addi %add3A_57, %mul3A_56 : i32
      %rem3A = arith.constant 2 : i32
      %rem3A_59 = arith.remsi %add3A_58, %rem3A : i32
      %sub3A = arith.constant 1 : i32
      %sub3A_60 = arith.subi %sub3A, %rem3A_59 : i32
      %scan3A_61 = arith.constant 0 : i32
      %scan3A_62 = arith.constant 10 : i32
      %scan3A_63 = arith.addi %scan3A_61, %scan3A_62 : i32
      %scan3A_64 = arith.constant 1 : i32
      scf.for %scan3A_77 = %scan3A_61 to %scan3A_63 step %scan3A_64  : i32 {
        %mul3A_78 = arith.constant 1 : i32
        %mul3A_79 = arith.muli %scan3A_77, %mul3A_78 : i32
        %add3A_80 = arith.constant 0 : i32
        %add3A_81 = arith.addi %add3A_80, %mul3A_79 : i32
        %dma_wait3A_82 = arith.constant 0 : i32
        %dma_wait3A_83 = arith.constant 0 : i32
        %dma_wait3A_84 = arith.constant 0 : i32
        %dma_wait3A_85 = arith.constant 0 : i32
        %dma_wait3A_86 = arith.constant 0 : i32
        %dma_wait3A_87 = tpu.memref_slice %arg9[%dma_wait3A_83, %dma_wait3A_84, %dma_wait3A_85, %dma_wait3A_86] : memref<2x10x125x16xf32, #tpu.memory_space<vmem>> -> memref<1x1x125x16xf32, #tpu.memory_space<vmem>>
        %dma_wait3A_88 = tpu.memref_squeeze %dma_wait3A_87 : memref<1x1x125x16xf32, #tpu.memory_space<vmem>> -> memref<125x16xf32, #tpu.memory_space<vmem>>
        %dma_wait3A_89 = arith.constant 0 : i32
        %dma_wait3A_90 = tpu.memref_slice %arg7[%dma_wait3A_82, %dma_wait3A_89] : memref<80x125xi32, #tpu.memory_space<vmem>> -> memref<1x125xi32, #tpu.memory_space<vmem>>
        %dma_wait3A_91 = tpu.memref_squeeze %dma_wait3A_90 : memref<1x125xi32, #tpu.memory_space<vmem>> -> memref<125xi32, #tpu.memory_space<vmem>>
        %dma_wait3A_92 = arith.constant 0 : i32
        %dma_wait3A_93 = arith.constant 0 : i32
        %dma_wait3A_94 = tpu.memref_slice %arg2[%dma_wait3A_92, %dma_wait3A_93] : memref<10000x16xf32, #tpu.memory_space<hbm>> -> memref<10000x16xf32, #tpu.memory_space<hbm>>
        tpu.wait_indirect_dma semaphore(%arg11 : memref<!tpu.dma_semaphore, #tpu.memory_space<semaphore_mem>>) src(%dma_wait3A_94 : memref<10000x16xf32, #tpu.memory_space<hbm>>) dst(%dma_wait3A_88 : memref<125x16xf32, #tpu.memory_space<vmem>>)
      }
      %scan3A_65 = arith.constant 10 : i32
      %gt3A = arith.constant 0 : i32
      %gt3A_66 = arith.cmpi sgt, %add3A_58, %gt3A : i32
      %convert_element_type3A = arith.extui %gt3A_66 : i1 to i32
      %cond3A = arith.constant 0 : i32
      %cond3A_67 = arith.cmpi ne, %convert_element_type3A, %cond3A : i32
      scf.if %cond3A_67 {
        %scan3A_77 = arith.constant 0 : i32
        %scan3A_78 = arith.constant 10 : i32
        %scan3A_79 = arith.addi %scan3A_77, %scan3A_78 : i32
        %scan3A_80 = arith.constant 1 : i32
        scf.for %scan3A_82 = %scan3A_77 to %scan3A_79 step %scan3A_80  : i32 {
          %mul3A_83 = arith.constant 1 : i32
          %mul3A_84 = arith.muli %scan3A_82, %mul3A_83 : i32
          %add3A_85 = arith.constant 0 : i32
          %add3A_86 = arith.addi %add3A_85, %mul3A_84 : i32
          %dma_wait3A_87 = arith.constant 0 : i32
          %dma_wait3A_88 = arith.constant 0 : i32
          %dma_wait3A_89 = arith.constant 0 : i32
          %dma_wait3A_90 = arith.constant 0 : i32
          %dma_wait3A_91 = arith.constant 0 : i32
          %dma_wait3A_92 = tpu.memref_slice %arg9[%dma_wait3A_88, %dma_wait3A_89, %dma_wait3A_90, %dma_wait3A_91] : memref<2x10x125x16xf32, #tpu.memory_space<vmem>> -> memref<1x1x125x16xf32, #tpu.memory_space<vmem>>
          %dma_wait3A_93 = tpu.memref_squeeze %dma_wait3A_92 : memref<1x1x125x16xf32, #tpu.memory_space<vmem>> -> memref<125x16xf32, #tpu.memory_space<vmem>>
          %dma_wait3A_94 = arith.constant 0 : i32
          %dma_wait3A_95 = tpu.memref_slice %arg7[%dma_wait3A_87, %dma_wait3A_94] : memref<80x125xi32, #tpu.memory_space<vmem>> -> memref<1x125xi32, #tpu.memory_space<vmem>>
          %dma_wait3A_96 = tpu.memref_squeeze %dma_wait3A_95 : memref<1x125xi32, #tpu.memory_space<vmem>> -> memref<125xi32, #tpu.memory_space<vmem>>
          %dma_wait3A_97 = arith.constant 0 : i32
          %dma_wait3A_98 = arith.constant 0 : i32
          %dma_wait3A_99 = tpu.memref_slice %arg2[%dma_wait3A_97, %dma_wait3A_98] : memref<10000x16xf32, #tpu.memory_space<hbm>> -> memref<10000x16xf32, #tpu.memory_space<hbm>>
          tpu.wait_indirect_dma semaphore(%arg12 : memref<!tpu.dma_semaphore, #tpu.memory_space<semaphore_mem>>) src(%dma_wait3A_99 : memref<10000x16xf32, #tpu.memory_space<hbm>>) dst(%dma_wait3A_93 : memref<125x16xf32, #tpu.memory_space<vmem>>)
        }
        %scan3A_81 = arith.constant 10 : i32
      } else {
      }
      %lt3A = arith.constant 7 : i32
      %lt3A_68 = arith.cmpi slt, %add3A_58, %lt3A : i32
      %convert_element_type3A_69 = arith.extui %lt3A_68 : i1 to i32
      %cond3A_70 = arith.constant 0 : i32
      %cond3A_71 = arith.cmpi ne, %convert_element_type3A_69, %cond3A_70 : i32
      scf.if %cond3A_71 {
        %scan3A_77 = arith.constant 0 : i32
        %scan3A_78 = arith.constant 10 : i32
        %scan3A_79 = arith.addi %scan3A_77, %scan3A_78 : i32
        %scan3A_80 = arith.constant 1 : i32
        scf.for %scan3A_82 = %scan3A_77 to %scan3A_79 step %scan3A_80  : i32 {
          %mul3A_83 = arith.constant 1 : i32
          %mul3A_84 = arith.muli %scan3A_82, %mul3A_83 : i32
          %add3A_85 = arith.constant 0 : i32
          %add3A_86 = arith.addi %add3A_85, %mul3A_84 : i32
          %add3A_87 = arith.constant 1 : i32
          %add3A_88 = arith.addi %add3A_58, %add3A_87 : i32
          %mul3A_89 = arith.constant 10 : i32
          %mul3A_90 = arith.muli %add3A_88, %mul3A_89 : i32
          %add3A_91 = arith.addi %mul3A_90, %add3A_86 : i32
          %dma_start3A_92 = arith.constant 0 : i32
          %dma_start3A_93 = arith.constant 0 : i32
          %dma_start3A_94 = tpu.memref_slice %arg9[%sub3A_60, %add3A_86, %dma_start3A_92, %dma_start3A_93] : memref<2x10x125x16xf32, #tpu.memory_space<vmem>> -> memref<1x1x125x16xf32, #tpu.memory_space<vmem>>
          %dma_start3A_95 = tpu.memref_squeeze %dma_start3A_94 : memref<1x1x125x16xf32, #tpu.memory_space<vmem>> -> memref<125x16xf32, #tpu.memory_space<vmem>>
          %dma_start3A_96 = arith.constant 0 : i32
          %dma_start3A_97 = tpu.memref_slice %arg7[%add3A_91, %dma_start3A_96] : memref<80x125xi32, #tpu.memory_space<vmem>> -> memref<1x125xi32, #tpu.memory_space<vmem>>
          %dma_start3A_98 = tpu.memref_squeeze %dma_start3A_97 : memref<1x125xi32, #tpu.memory_space<vmem>> -> memref<125xi32, #tpu.memory_space<vmem>>
          %dma_start3A_99 = arith.constant 0 : i32
          %dma_start3A_100 = arith.constant 0 : i32
          %dma_start3A_101 = tpu.memref_slice %arg2[%dma_start3A_99, %dma_start3A_100] : memref<10000x16xf32, #tpu.memory_space<hbm>> -> memref<10000x16xf32, #tpu.memory_space<hbm>>
          tpu.enqueue_indirect_dma source(%dma_start3A_101 : memref<10000x16xf32, #tpu.memory_space<hbm>>) target(%dma_start3A_95 : memref<125x16xf32, #tpu.memory_space<vmem>>) offsets(%dma_start3A_98 : memref<125xi32, #tpu.memory_space<vmem>>) semaphore(%arg11 : memref<!tpu.dma_semaphore, #tpu.memory_space<semaphore_mem>>)
        }
        %scan3A_81 = arith.constant 10 : i32
      } else {
      }
      %scan3A_72 = arith.constant 0 : i32
      %scan3A_73 = arith.constant 10 : i32
      %scan3A_74 = arith.addi %scan3A_72, %scan3A_73 : i32
      %scan3A_75 = arith.constant 1 : i32
      scf.for %scan3A_77 = %scan3A_72 to %scan3A_74 step %scan3A_75  : i32 {
        %mul3A_78 = arith.constant 1 : i32
        %mul3A_79 = arith.muli %scan3A_77, %mul3A_78 : i32
        %add3A_80 = arith.constant 0 : i32
        %add3A_81 = arith.addi %add3A_80, %mul3A_79 : i32
        %mul3A_82 = arith.constant 10 : i32
        %mul3A_83 = arith.muli %add3A_58, %mul3A_82 : i32
        %add3A_84 = arith.addi %mul3A_83, %add3A_81 : i32
        %dma_start3A_85 = arith.constant 0 : i32
        %dma_start3A_86 = arith.constant 0 : i32
        %dma_start3A_87 = tpu.memref_slice %arg9[%rem3A_59, %add3A_81, %dma_start3A_85, %dma_start3A_86] : memref<2x10x125x16xf32, #tpu.memory_space<vmem>> -> memref<1x1x125x16xf32, #tpu.memory_space<vmem>>
        %dma_start3A_88 = tpu.memref_squeeze %dma_start3A_87 : memref<1x1x125x16xf32, #tpu.memory_space<vmem>> -> memref<125x16xf32, #tpu.memory_space<vmem>>
        %dma_start3A_89 = arith.constant 0 : i32
        %dma_start3A_90 = tpu.memref_slice %arg8[%add3A_84, %dma_start3A_89] : memref<80x125xi32, #tpu.memory_space<vmem>> -> memref<1x125xi32, #tpu.memory_space<vmem>>
        %dma_start3A_91 = tpu.memref_squeeze %dma_start3A_90 : memref<1x125xi32, #tpu.memory_space<vmem>> -> memref<125xi32, #tpu.memory_space<vmem>>
        %dma_start3A_92 = arith.constant 0 : i32
        %dma_start3A_93 = arith.constant 0 : i32
        %dma_start3A_94 = tpu.memref_slice %arg10[%dma_start3A_92, %dma_start3A_93] : memref<10000x16xf32, #tpu.memory_space<vmem_shared>> -> memref<10000x16xf32, #tpu.memory_space<vmem_shared>>
        tpu.enqueue_indirect_dma source(%dma_start3A_88 : memref<125x16xf32, #tpu.memory_space<vmem>>) target(%dma_start3A_94 : memref<10000x16xf32, #tpu.memory_space<vmem_shared>>) offsets(%dma_start3A_91 : memref<125xi32, #tpu.memory_space<vmem>>) semaphore(%arg12 : memref<!tpu.dma_semaphore, #tpu.memory_space<semaphore_mem>>) {add = true}
      }
      %scan3A_76 = arith.constant 10 : i32
    }
    %scan3A_43 = arith.constant 8 : i32
    %scan3A_44 = arith.constant 0 : i32
    %scan3A_45 = arith.constant 10 : i32
    %scan3A_46 = arith.addi %scan3A_44, %scan3A_45 : i32
    %scan3A_47 = arith.constant 1 : i32
    scf.for %scan3A_54 = %scan3A_44 to %scan3A_46 step %scan3A_47  : i32 {
      %mul3A_55 = arith.constant 1 : i32
      %mul3A_56 = arith.muli %scan3A_54, %mul3A_55 : i32
      %add3A_57 = arith.constant 0 : i32
      %add3A_58 = arith.addi %add3A_57, %mul3A_56 : i32
      %dma_wait3A_59 = arith.constant 0 : i32
      %dma_wait3A_60 = arith.constant 0 : i32
      %dma_wait3A_61 = arith.constant 0 : i32
      %dma_wait3A_62 = arith.constant 0 : i32
      %dma_wait3A_63 = arith.constant 0 : i32
      %dma_wait3A_64 = tpu.memref_slice %arg9[%dma_wait3A_60, %dma_wait3A_61, %dma_wait3A_62, %dma_wait3A_63] : memref<2x10x125x16xf32, #tpu.memory_space<vmem>> -> memref<1x1x125x16xf32, #tpu.memory_space<vmem>>
      %dma_wait3A_65 = tpu.memref_squeeze %dma_wait3A_64 : memref<1x1x125x16xf32, #tpu.memory_space<vmem>> -> memref<125x16xf32, #tpu.memory_space<vmem>>
      %dma_wait3A_66 = arith.constant 0 : i32
      %dma_wait3A_67 = tpu.memref_slice %arg7[%dma_wait3A_59, %dma_wait3A_66] : memref<80x125xi32, #tpu.memory_space<vmem>> -> memref<1x125xi32, #tpu.memory_space<vmem>>
      %dma_wait3A_68 = tpu.memref_squeeze %dma_wait3A_67 : memref<1x125xi32, #tpu.memory_space<vmem>> -> memref<125xi32, #tpu.memory_space<vmem>>
      %dma_wait3A_69 = arith.constant 0 : i32
      %dma_wait3A_70 = arith.constant 0 : i32
      %dma_wait3A_71 = tpu.memref_slice %arg2[%dma_wait3A_69, %dma_wait3A_70] : memref<10000x16xf32, #tpu.memory_space<hbm>> -> memref<10000x16xf32, #tpu.memory_space<hbm>>
      tpu.wait_indirect_dma semaphore(%arg12 : memref<!tpu.dma_semaphore, #tpu.memory_space<semaphore_mem>>) src(%dma_wait3A_71 : memref<10000x16xf32, #tpu.memory_space<hbm>>) dst(%dma_wait3A_65 : memref<125x16xf32, #tpu.memory_space<vmem>>)
    }
    %scan3A_48 = arith.constant 10 : i32
    %barrier3A_49 = arith.constant 0 : index
    tpu.barrier barrier_id(%barrier3A_49)
    %mul3A_50 = arith.constant 625 : i32
    %mul3A_51 = arith.muli %arg1, %mul3A_50 : i32
    %mul3A_52 = arith.constant 625 : i32
    %mul3A_53 = arith.muli %arg1, %mul3A_52 : i32
    "tpu.region"() ({
      %run_scoped3A = tpu.sem_alloc : memref<!tpu.dma_semaphore, #tpu.memory_space<semaphore_mem>>
      %dma_start3A_54 = arith.constant 0 : i32
      %dma_start3A_55 = tpu.memref_slice %arg6[%arg0, %mul3A_53, %dma_start3A_54] : memref<2x10000x16xf32, #tpu.memory_space<hbm>> -> memref<1x625x16xf32, #tpu.memory_space<hbm>>
      %dma_start3A_56 = tpu.memref_squeeze %dma_start3A_55 : memref<1x625x16xf32, #tpu.memory_space<hbm>> -> memref<625x16xf32, #tpu.memory_space<hbm>>
      %dma_start3A_57 = arith.constant 0 : i32
      %dma_start3A_58 = tpu.memref_slice %arg10[%mul3A_51, %dma_start3A_57] : memref<10000x16xf32, #tpu.memory_space<vmem_shared>> -> memref<625x16xf32, #tpu.memory_space<vmem_shared>>
      tpu.enqueue_dma source(%dma_start3A_58 : memref<625x16xf32, #tpu.memory_space<vmem_shared>>) target(%dma_start3A_56 : memref<625x16xf32, #tpu.memory_space<hbm>>) target_semaphore(%run_scoped3A : memref<!tpu.dma_semaphore, #tpu.memory_space<semaphore_mem>>)
      %dma_wait3A_59 = arith.constant 0 : i32
      %dma_wait3A_60 = tpu.memref_slice %arg6[%arg0, %mul3A_53, %dma_wait3A_59] : memref<2x10000x16xf32, #tpu.memory_space<hbm>> -> memref<1x625x16xf32, #tpu.memory_space<hbm>>
      %dma_wait3A_61 = tpu.memref_squeeze %dma_wait3A_60 : memref<1x625x16xf32, #tpu.memory_space<hbm>> -> memref<625x16xf32, #tpu.memory_space<hbm>>
      %dma_wait3A_62 = arith.constant 0 : i32
      %dma_wait3A_63 = tpu.memref_slice %arg10[%mul3A_51, %dma_wait3A_62] : memref<10000x16xf32, #tpu.memory_space<vmem_shared>> -> memref<625x16xf32, #tpu.memory_space<vmem_shared>>
      tpu.wait_dma2 semaphore(%run_scoped3A : memref<!tpu.dma_semaphore, #tpu.memory_space<semaphore_mem>>) src(%dma_wait3A_63 : memref<625x16xf32, #tpu.memory_space<vmem_shared>>) dst(%dma_wait3A_61 : memref<625x16xf32, #tpu.memory_space<hbm>>)
      tpu.yield
    }) : () -> ()
    return
  }
}

#map = affine_map<(d0, d1) -> (0)>
#map1 = affine_map<(d0, d1) -> (0, 0)>
module attributes {stable_mosaic.version = 14 : i64} {
  func.func @_sc_degrees(%arg0: i32, %arg1: i32, %arg2: memref<320000xi32, #tpu.memory_space<hbm>>, %arg3: memref<320000xi32, #tpu.memory_space<hbm>>, %arg4: memref<32x10000xf32, #tpu.memory_space<hbm>>, %arg5: memref<32x10000xf32, #tpu.memory_space<hbm>>, %arg6: memref<10000xi32, #tpu.memory_space<vmem>>, %arg7: memref<10000xi32, #tpu.memory_space<vmem>>, %arg8: memref<10000xf32, #tpu.memory_space<vmem>>, %arg9: memref<10000xf32, #tpu.memory_space<vmem>>, %arg10: memref<!tpu.dma_semaphore, #tpu.memory_space<semaphore_mem>>) attributes {dimension_semantics = [#tpu.dimension_semantics<core_parallel>, #tpu.dimension_semantics<subcore_parallel>], iteration_bounds = array<i64: 2, 16>, scalar_prefetch = 0 : i64, scratch_operands = 5 : i64, tpu.core_type = #tpu.core_type<sc_vector_subcore>, window_params = [{transform_indices = #map}, {transform_indices = #map}, {transform_indices = #map1}, {transform_indices = #map1}]} {
    %mul3A = arith.constant 16 : i32
    %mul3A_0 = arith.muli %arg0, %mul3A : i32
    %add3A = arith.addi %mul3A_0, %arg1 : i32
    %broadcast_in_dim3A = arith.constant 1.000000e+00 : f32
    %broadcast_in_dim3A_1 = vector.broadcast %broadcast_in_dim3A : f32 to vector<16xf32>
    %broadcast_in_dim3A_2 = arith.constant 0.000000e+00 : f32
    %broadcast_in_dim3A_3 = vector.broadcast %broadcast_in_dim3A_2 : f32 to vector<16xf32>
    %mul3A_4 = arith.constant 10000 : i32
    %mul3A_5 = arith.muli %add3A, %mul3A_4 : i32
    %dma_start3A = tpu.memref_slice %arg2[%mul3A_5] : memref<320000xi32, #tpu.memory_space<hbm>> -> memref<10000xi32, #tpu.memory_space<hbm>>
    %dma_start3A_6 = tpu.memref_slice %arg2[%mul3A_5] : memref<320000xi32, #tpu.memory_space<hbm>> -> memref<10000xi32, #tpu.memory_space<hbm>>
    tpu.enqueue_dma source(%dma_start3A_6 : memref<10000xi32, #tpu.memory_space<hbm>>) target(%arg6 : memref<10000xi32, #tpu.memory_space<vmem>>) target_semaphore(%arg10 : memref<!tpu.dma_semaphore, #tpu.memory_space<semaphore_mem>>)
    %mul3A_7 = arith.constant 10000 : i32
    %mul3A_8 = arith.muli %add3A, %mul3A_7 : i32
    %dma_start3A_9 = tpu.memref_slice %arg3[%mul3A_8] : memref<320000xi32, #tpu.memory_space<hbm>> -> memref<10000xi32, #tpu.memory_space<hbm>>
    %dma_start3A_10 = tpu.memref_slice %arg3[%mul3A_8] : memref<320000xi32, #tpu.memory_space<hbm>> -> memref<10000xi32, #tpu.memory_space<hbm>>
    tpu.enqueue_dma source(%dma_start3A_10 : memref<10000xi32, #tpu.memory_space<hbm>>) target(%arg7 : memref<10000xi32, #tpu.memory_space<vmem>>) target_semaphore(%arg10 : memref<!tpu.dma_semaphore, #tpu.memory_space<semaphore_mem>>)
    %scan3A = arith.constant 0 : i32
    %scan3A_11 = arith.constant 125 : i32
    %scan3A_12 = arith.addi %scan3A, %scan3A_11 : i32
    %scan3A_13 = arith.constant 1 : i32
    scf.for %scan3A_23 = %scan3A to %scan3A_12 step %scan3A_13  : i32 {
      %mul3A_24 = arith.constant 1 : i32
      %mul3A_25 = arith.muli %scan3A_23, %mul3A_24 : i32
      %add3A_26 = arith.constant 0 : i32
      %add3A_27 = arith.addi %add3A_26, %mul3A_25 : i32
      %mul3A_28 = arith.constant 80 : i32
      %mul3A_29 = arith.muli %add3A_27, %mul3A_28 : i32
      %add3A_30 = arith.constant 0 : i32
      %add3A_31 = arith.addi %mul3A_29, %add3A_30 : i32
      %swap3A = arith.index_cast %add3A_31 : i32 to index
      %swap3A_32 = tpu.vector_load %arg8[%swap3A] {strides = array<i32>} : memref<10000xf32, #tpu.memory_space<vmem>>, vector<16xf32>,
      tpu.vector_store %arg8[%swap3A], %broadcast_in_dim3A_3 {strides = array<i32>} : memref<10000xf32, #tpu.memory_space<vmem>>, vector<16xf32>,
      %swap3A_33 = arith.index_cast %add3A_31 : i32 to index
      %swap3A_34 = tpu.vector_load %arg9[%swap3A_33] {strides = array<i32>} : memref<10000xf32, #tpu.memory_space<vmem>>, vector<16xf32>,
      tpu.vector_store %arg9[%swap3A_33], %broadcast_in_dim3A_3 {strides = array<i32>} : memref<10000xf32, #tpu.memory_space<vmem>>, vector<16xf32>,
      %mul3A_35 = arith.constant 80 : i32
      %mul3A_36 = arith.muli %add3A_27, %mul3A_35 : i32
      %add3A_37 = arith.constant 16 : i32
      %add3A_38 = arith.addi %mul3A_36, %add3A_37 : i32
      %swap3A_39 = arith.index_cast %add3A_38 : i32 to index
      %swap3A_40 = tpu.vector_load %arg8[%swap3A_39] {strides = array<i32>} : memref<10000xf32, #tpu.memory_space<vmem>>, vector<16xf32>,
      tpu.vector_store %arg8[%swap3A_39], %broadcast_in_dim3A_3 {strides = array<i32>} : memref<10000xf32, #tpu.memory_space<vmem>>, vector<16xf32>,
      %swap3A_41 = arith.index_cast %add3A_38 : i32 to index
      %swap3A_42 = tpu.vector_load %arg9[%swap3A_41] {strides = array<i32>} : memref<10000xf32, #tpu.memory_space<vmem>>, vector<16xf32>,
      tpu.vector_store %arg9[%swap3A_41], %broadcast_in_dim3A_3 {strides = array<i32>} : memref<10000xf32, #tpu.memory_space<vmem>>, vector<16xf32>,
      %mul3A_43 = arith.constant 80 : i32
      %mul3A_44 = arith.muli %add3A_27, %mul3A_43 : i32
      %add3A_45 = arith.constant 32 : i32
      %add3A_46 = arith.addi %mul3A_44, %add3A_45 : i32
      %swap3A_47 = arith.index_cast %add3A_46 : i32 to index
      %swap3A_48 = tpu.vector_load %arg8[%swap3A_47] {strides = array<i32>} : memref<10000xf32, #tpu.memory_space<vmem>>, vector<16xf32>,
      tpu.vector_store %arg8[%swap3A_47], %broadcast_in_dim3A_3 {strides = array<i32>} : memref<10000xf32, #tpu.memory_space<vmem>>, vector<16xf32>,
      %swap3A_49 = arith.index_cast %add3A_46 : i32 to index
      %swap3A_50 = tpu.vector_load %arg9[%swap3A_49] {strides = array<i32>} : memref<10000xf32, #tpu.memory_space<vmem>>, vector<16xf32>,
      tpu.vector_store %arg9[%swap3A_49], %broadcast_in_dim3A_3 {strides = array<i32>} : memref<10000xf32, #tpu.memory_space<vmem>>, vector<16xf32>,
      %mul3A_51 = arith.constant 80 : i32
      %mul3A_52 = arith.muli %add3A_27, %mul3A_51 : i32
      %add3A_53 = arith.constant 48 : i32
      %add3A_54 = arith.addi %mul3A_52, %add3A_53 : i32
      %swap3A_55 = arith.index_cast %add3A_54 : i32 to index
      %swap3A_56 = tpu.vector_load %arg8[%swap3A_55] {strides = array<i32>} : memref<10000xf32, #tpu.memory_space<vmem>>, vector<16xf32>,
      tpu.vector_store %arg8[%swap3A_55], %broadcast_in_dim3A_3 {strides = array<i32>} : memref<10000xf32, #tpu.memory_space<vmem>>, vector<16xf32>,
      %swap3A_57 = arith.index_cast %add3A_54 : i32 to index
      %swap3A_58 = tpu.vector_load %arg9[%swap3A_57] {strides = array<i32>} : memref<10000xf32, #tpu.memory_space<vmem>>, vector<16xf32>,
      tpu.vector_store %arg9[%swap3A_57], %broadcast_in_dim3A_3 {strides = array<i32>} : memref<10000xf32, #tpu.memory_space<vmem>>, vector<16xf32>,
      %mul3A_59 = arith.constant 80 : i32
      %mul3A_60 = arith.muli %add3A_27, %mul3A_59 : i32
      %add3A_61 = arith.constant 64 : i32
      %add3A_62 = arith.addi %mul3A_60, %add3A_61 : i32
      %swap3A_63 = arith.index_cast %add3A_62 : i32 to index
      %swap3A_64 = tpu.vector_load %arg8[%swap3A_63] {strides = array<i32>} : memref<10000xf32, #tpu.memory_space<vmem>>, vector<16xf32>,
      tpu.vector_store %arg8[%swap3A_63], %broadcast_in_dim3A_3 {strides = array<i32>} : memref<10000xf32, #tpu.memory_space<vmem>>, vector<16xf32>,
      %swap3A_65 = arith.index_cast %add3A_62 : i32 to index
      %swap3A_66 = tpu.vector_load %arg9[%swap3A_65] {strides = array<i32>} : memref<10000xf32, #tpu.memory_space<vmem>>, vector<16xf32>,
      tpu.vector_store %arg9[%swap3A_65], %broadcast_in_dim3A_3 {strides = array<i32>} : memref<10000xf32, #tpu.memory_space<vmem>>, vector<16xf32>,
    }
    %scan3A_14 = arith.constant 125 : i32
    %dma_wait3A = tpu.memref_slice %arg2[%mul3A_5] : memref<320000xi32, #tpu.memory_space<hbm>> -> memref<10000xi32, #tpu.memory_space<hbm>>
    %dma_wait3A_15 = tpu.memref_slice %arg2[%mul3A_5] : memref<320000xi32, #tpu.memory_space<hbm>> -> memref<10000xi32, #tpu.memory_space<hbm>>
    tpu.wait_dma2 semaphore(%arg10 : memref<!tpu.dma_semaphore, #tpu.memory_space<semaphore_mem>>) src(%dma_wait3A_15 : memref<10000xi32, #tpu.memory_space<hbm>>) dst(%arg6 : memref<10000xi32, #tpu.memory_space<vmem>>)
    %dma_wait3A_16 = tpu.memref_slice %arg3[%mul3A_8] : memref<320000xi32, #tpu.memory_space<hbm>> -> memref<10000xi32, #tpu.memory_space<hbm>>
    %dma_wait3A_17 = tpu.memref_slice %arg3[%mul3A_8] : memref<320000xi32, #tpu.memory_space<hbm>> -> memref<10000xi32, #tpu.memory_space<hbm>>
    tpu.wait_dma2 semaphore(%arg10 : memref<!tpu.dma_semaphore, #tpu.memory_space<semaphore_mem>>) src(%dma_wait3A_17 : memref<10000xi32, #tpu.memory_space<hbm>>) dst(%arg7 : memref<10000xi32, #tpu.memory_space<vmem>>)
    %scan3A_18 = arith.constant 0 : i32
    %scan3A_19 = arith.constant 125 : i32
    %scan3A_20 = arith.addi %scan3A_18, %scan3A_19 : i32
    %scan3A_21 = arith.constant 1 : i32
    scf.for %scan3A_23 = %scan3A_18 to %scan3A_20 step %scan3A_21  : i32 {
      %mul3A_24 = arith.constant 1 : i32
      %mul3A_25 = arith.muli %scan3A_23, %mul3A_24 : i32
      %add3A_26 = arith.constant 0 : i32
      %add3A_27 = arith.addi %add3A_26, %mul3A_25 : i32
      %mul3A_28 = arith.constant 80 : i32
      %mul3A_29 = arith.muli %add3A_27, %mul3A_28 : i32
      %add3A_30 = arith.constant 0 : i32
      %add3A_31 = arith.addi %mul3A_29, %add3A_30 : i32
      %get3A = arith.index_cast %add3A_31 : i32 to index
      %get3A_32 = tpu.vector_load %arg6[%get3A] {strides = array<i32>} : memref<10000xi32, #tpu.memory_space<vmem>>, vector<16xi32>,
      tpu.vector_store_idx %arg8[%get3A_32], %broadcast_in_dim3A_1 {add = true} : memref<10000xf32, #tpu.memory_space<vmem>>[vector<16xi32>], vector<16xf32>,
      %get3A_33 = arith.index_cast %add3A_31 : i32 to index
      %get3A_34 = tpu.vector_load %arg7[%get3A_33] {strides = array<i32>} : memref<10000xi32, #tpu.memory_space<vmem>>, vector<16xi32>,
      tpu.vector_store_idx %arg9[%get3A_34], %broadcast_in_dim3A_1 {add = true} : memref<10000xf32, #tpu.memory_space<vmem>>[vector<16xi32>], vector<16xf32>,
      %mul3A_35 = arith.constant 80 : i32
      %mul3A_36 = arith.muli %add3A_27, %mul3A_35 : i32
      %add3A_37 = arith.constant 16 : i32
      %add3A_38 = arith.addi %mul3A_36, %add3A_37 : i32
      %get3A_39 = arith.index_cast %add3A_38 : i32 to index
      %get3A_40 = tpu.vector_load %arg6[%get3A_39] {strides = array<i32>} : memref<10000xi32, #tpu.memory_space<vmem>>, vector<16xi32>,
      tpu.vector_store_idx %arg8[%get3A_40], %broadcast_in_dim3A_1 {add = true} : memref<10000xf32, #tpu.memory_space<vmem>>[vector<16xi32>], vector<16xf32>,
      %get3A_41 = arith.index_cast %add3A_38 : i32 to index
      %get3A_42 = tpu.vector_load %arg7[%get3A_41] {strides = array<i32>} : memref<10000xi32, #tpu.memory_space<vmem>>, vector<16xi32>,
      tpu.vector_store_idx %arg9[%get3A_42], %broadcast_in_dim3A_1 {add = true} : memref<10000xf32, #tpu.memory_space<vmem>>[vector<16xi32>], vector<16xf32>,
      %mul3A_43 = arith.constant 80 : i32
      %mul3A_44 = arith.muli %add3A_27, %mul3A_43 : i32
      %add3A_45 = arith.constant 32 : i32
      %add3A_46 = arith.addi %mul3A_44, %add3A_45 : i32
      %get3A_47 = arith.index_cast %add3A_46 : i32 to index
      %get3A_48 = tpu.vector_load %arg6[%get3A_47] {strides = array<i32>} : memref<10000xi32, #tpu.memory_space<vmem>>, vector<16xi32>,
      tpu.vector_store_idx %arg8[%get3A_48], %broadcast_in_dim3A_1 {add = true} : memref<10000xf32, #tpu.memory_space<vmem>>[vector<16xi32>], vector<16xf32>,
      %get3A_49 = arith.index_cast %add3A_46 : i32 to index
      %get3A_50 = tpu.vector_load %arg7[%get3A_49] {strides = array<i32>} : memref<10000xi32, #tpu.memory_space<vmem>>, vector<16xi32>,
      tpu.vector_store_idx %arg9[%get3A_50], %broadcast_in_dim3A_1 {add = true} : memref<10000xf32, #tpu.memory_space<vmem>>[vector<16xi32>], vector<16xf32>,
      %mul3A_51 = arith.constant 80 : i32
      %mul3A_52 = arith.muli %add3A_27, %mul3A_51 : i32
      %add3A_53 = arith.constant 48 : i32
      %add3A_54 = arith.addi %mul3A_52, %add3A_53 : i32
      %get3A_55 = arith.index_cast %add3A_54 : i32 to index
      %get3A_56 = tpu.vector_load %arg6[%get3A_55] {strides = array<i32>} : memref<10000xi32, #tpu.memory_space<vmem>>, vector<16xi32>,
      tpu.vector_store_idx %arg8[%get3A_56], %broadcast_in_dim3A_1 {add = true} : memref<10000xf32, #tpu.memory_space<vmem>>[vector<16xi32>], vector<16xf32>,
      %get3A_57 = arith.index_cast %add3A_54 : i32 to index
      %get3A_58 = tpu.vector_load %arg7[%get3A_57] {strides = array<i32>} : memref<10000xi32, #tpu.memory_space<vmem>>, vector<16xi32>,
      tpu.vector_store_idx %arg9[%get3A_58], %broadcast_in_dim3A_1 {add = true} : memref<10000xf32, #tpu.memory_space<vmem>>[vector<16xi32>], vector<16xf32>,
      %mul3A_59 = arith.constant 80 : i32
      %mul3A_60 = arith.muli %add3A_27, %mul3A_59 : i32
      %add3A_61 = arith.constant 64 : i32
      %add3A_62 = arith.addi %mul3A_60, %add3A_61 : i32
      %get3A_63 = arith.index_cast %add3A_62 : i32 to index
      %get3A_64 = tpu.vector_load %arg6[%get3A_63] {strides = array<i32>} : memref<10000xi32, #tpu.memory_space<vmem>>, vector<16xi32>,
      tpu.vector_store_idx %arg8[%get3A_64], %broadcast_in_dim3A_1 {add = true} : memref<10000xf32, #tpu.memory_space<vmem>>[vector<16xi32>], vector<16xf32>,
      %get3A_65 = arith.index_cast %add3A_62 : i32 to index
      %get3A_66 = tpu.vector_load %arg7[%get3A_65] {strides = array<i32>} : memref<10000xi32, #tpu.memory_space<vmem>>, vector<16xi32>,
      tpu.vector_store_idx %arg9[%get3A_66], %broadcast_in_dim3A_1 {add = true} : memref<10000xf32, #tpu.memory_space<vmem>>[vector<16xi32>], vector<16xf32>,
    }
    %scan3A_22 = arith.constant 125 : i32
    "tpu.region"() ({
      %run_scoped3A = tpu.sem_alloc : memref<!tpu.dma_semaphore, #tpu.memory_space<semaphore_mem>>
      %dma_start3A_23 = arith.constant 0 : i32
      %dma_start3A_24 = tpu.memref_slice %arg4[%add3A, %dma_start3A_23] : memref<32x10000xf32, #tpu.memory_space<hbm>> -> memref<1x10000xf32, #tpu.memory_space<hbm>>
      %dma_start3A_25 = tpu.memref_squeeze %dma_start3A_24 : memref<1x10000xf32, #tpu.memory_space<hbm>> -> memref<10000xf32, #tpu.memory_space<hbm>>
      %dma_start3A_26 = arith.constant 0 : i32
      %dma_start3A_27 = tpu.memref_slice %arg4[%add3A, %dma_start3A_26] : memref<32x10000xf32, #tpu.memory_space<hbm>> -> memref<1x10000xf32, #tpu.memory_space<hbm>>
      %dma_start3A_28 = tpu.memref_squeeze %dma_start3A_27 : memref<1x10000xf32, #tpu.memory_space<hbm>> -> memref<10000xf32, #tpu.memory_space<hbm>>
      tpu.enqueue_dma source(%arg8 : memref<10000xf32, #tpu.memory_space<vmem>>) target(%dma_start3A_28 : memref<10000xf32, #tpu.memory_space<hbm>>) target_semaphore(%run_scoped3A : memref<!tpu.dma_semaphore, #tpu.memory_space<semaphore_mem>>)
      %dma_wait3A_29 = arith.constant 0 : i32
      %dma_wait3A_30 = tpu.memref_slice %arg4[%add3A, %dma_wait3A_29] : memref<32x10000xf32, #tpu.memory_space<hbm>> -> memref<1x10000xf32, #tpu.memory_space<hbm>>
      %dma_wait3A_31 = tpu.memref_squeeze %dma_wait3A_30 : memref<1x10000xf32, #tpu.memory_space<hbm>> -> memref<10000xf32, #tpu.memory_space<hbm>>
      %dma_wait3A_32 = arith.constant 0 : i32
      %dma_wait3A_33 = tpu.memref_slice %arg4[%add3A, %dma_wait3A_32] : memref<32x10000xf32, #tpu.memory_space<hbm>> -> memref<1x10000xf32, #tpu.memory_space<hbm>>
      %dma_wait3A_34 = tpu.memref_squeeze %dma_wait3A_33 : memref<1x10000xf32, #tpu.memory_space<hbm>> -> memref<10000xf32, #tpu.memory_space<hbm>>
      tpu.wait_dma2 semaphore(%run_scoped3A : memref<!tpu.dma_semaphore, #tpu.memory_space<semaphore_mem>>) src(%arg8 : memref<10000xf32, #tpu.memory_space<vmem>>) dst(%dma_wait3A_34 : memref<10000xf32, #tpu.memory_space<hbm>>)
      tpu.yield
    }) : () -> ()
    "tpu.region"() ({
      %run_scoped3A = tpu.sem_alloc : memref<!tpu.dma_semaphore, #tpu.memory_space<semaphore_mem>>
      %dma_start3A_23 = arith.constant 0 : i32
      %dma_start3A_24 = tpu.memref_slice %arg5[%add3A, %dma_start3A_23] : memref<32x10000xf32, #tpu.memory_space<hbm>> -> memref<1x10000xf32, #tpu.memory_space<hbm>>
      %dma_start3A_25 = tpu.memref_squeeze %dma_start3A_24 : memref<1x10000xf32, #tpu.memory_space<hbm>> -> memref<10000xf32, #tpu.memory_space<hbm>>
      %dma_start3A_26 = arith.constant 0 : i32
      %dma_start3A_27 = tpu.memref_slice %arg5[%add3A, %dma_start3A_26] : memref<32x10000xf32, #tpu.memory_space<hbm>> -> memref<1x10000xf32, #tpu.memory_space<hbm>>
      %dma_start3A_28 = tpu.memref_squeeze %dma_start3A_27 : memref<1x10000xf32, #tpu.memory_space<hbm>> -> memref<10000xf32, #tpu.memory_space<hbm>>
      tpu.enqueue_dma source(%arg9 : memref<10000xf32, #tpu.memory_space<vmem>>) target(%dma_start3A_28 : memref<10000xf32, #tpu.memory_space<hbm>>) target_semaphore(%run_scoped3A : memref<!tpu.dma_semaphore, #tpu.memory_space<semaphore_mem>>)
      %dma_wait3A_29 = arith.constant 0 : i32
      %dma_wait3A_30 = tpu.memref_slice %arg5[%add3A, %dma_wait3A_29] : memref<32x10000xf32, #tpu.memory_space<hbm>> -> memref<1x10000xf32, #tpu.memory_space<hbm>>
      %dma_wait3A_31 = tpu.memref_squeeze %dma_wait3A_30 : memref<1x10000xf32, #tpu.memory_space<hbm>> -> memref<10000xf32, #tpu.memory_space<hbm>>
      %dma_wait3A_32 = arith.constant 0 : i32
      %dma_wait3A_33 = tpu.memref_slice %arg5[%add3A, %dma_wait3A_32] : memref<32x10000xf32, #tpu.memory_space<hbm>> -> memref<1x10000xf32, #tpu.memory_space<hbm>>
      %dma_wait3A_34 = tpu.memref_squeeze %dma_wait3A_33 : memref<1x10000xf32, #tpu.memory_space<hbm>> -> memref<10000xf32, #tpu.memory_space<hbm>>
      tpu.wait_dma2 semaphore(%run_scoped3A : memref<!tpu.dma_semaphore, #tpu.memory_space<semaphore_mem>>) src(%arg9 : memref<10000xf32, #tpu.memory_space<vmem>>) dst(%dma_wait3A_34 : memref<10000xf32, #tpu.memory_space<hbm>>)
      tpu.yield
    }) : () -> ()
    return
  }
}

#map = affine_map<(d0, d1) -> (0, 0)>
#map1 = affine_map<(d0, d1) -> (0, 0, 0)>
module attributes {stable_mosaic.version = 14 : i64} {
  func.func @_sc_agg(%arg0: i32, %arg1: i32, %arg2: memref<10000x32xf32, #tpu.memory_space<hbm>>, %arg3: memref<32x80x125xi32, #tpu.memory_space<hbm>>, %arg4: memref<32x80x125xi32, #tpu.memory_space<hbm>>, %arg5: memref<10000x32xf32, #tpu.memory_space<hbm>>, %arg6: memref<2x10000x32xf32, #tpu.memory_space<hbm>>, %arg7: memref<80x125xi32, #tpu.memory_space<vmem>>, %arg8: memref<80x125xi32, #tpu.memory_space<vmem>>, %arg9: memref<2x10x125x32xf32, #tpu.memory_space<vmem>>, %arg10: memref<10000x32xf32, #tpu.memory_space<vmem_shared>>, %arg11: memref<!tpu.dma_semaphore, #tpu.memory_space<semaphore_mem>>, %arg12: memref<!tpu.dma_semaphore, #tpu.memory_space<semaphore_mem>>) attributes {dimension_semantics = [#tpu.dimension_semantics<core_parallel>, #tpu.dimension_semantics<subcore_parallel>], iteration_bounds = array<i64: 2, 16>, scalar_prefetch = 0 : i64, scratch_operands = 6 : i64, tpu.core_type = #tpu.core_type<sc_vector_subcore>, window_params = [{transform_indices = #map}, {transform_indices = #map1}, {transform_indices = #map1}, {transform_indices = #map}, {transform_indices = #map1}]} {
    %mul3A = arith.constant 16 : i32
    %mul3A_0 = arith.muli %arg0, %mul3A : i32
    %add3A = arith.addi %mul3A_0, %arg1 : i32
    %dma_start3A = arith.constant 0 : i32
    %dma_start3A_1 = arith.constant 0 : i32
    %dma_start3A_2 = tpu.memref_slice %arg3[%add3A, %dma_start3A, %dma_start3A_1] : memref<32x80x125xi32, #tpu.memory_space<hbm>> -> memref<1x80x125xi32, #tpu.memory_space<hbm>>
    %dma_start3A_3 = tpu.memref_squeeze %dma_start3A_2 : memref<1x80x125xi32, #tpu.memory_space<hbm>> -> memref<80x125xi32, #tpu.memory_space<hbm>>
    %dma_start3A_4 = arith.constant 0 : i32
    %dma_start3A_5 = arith.constant 0 : i32
    %dma_start3A_6 = tpu.memref_slice %arg3[%add3A, %dma_start3A_4, %dma_start3A_5] : memref<32x80x125xi32, #tpu.memory_space<hbm>> -> memref<1x80x125xi32, #tpu.memory_space<hbm>>
    %dma_start3A_7 = tpu.memref_squeeze %dma_start3A_6 : memref<1x80x125xi32, #tpu.memory_space<hbm>> -> memref<80x125xi32, #tpu.memory_space<hbm>>
    tpu.enqueue_dma source(%dma_start3A_7 : memref<80x125xi32, #tpu.memory_space<hbm>>) target(%arg7 : memref<80x125xi32, #tpu.memory_space<vmem>>) target_semaphore(%arg11 : memref<!tpu.dma_semaphore, #tpu.memory_space<semaphore_mem>>)
    %dma_start3A_8 = arith.constant 0 : i32
    %dma_start3A_9 = arith.constant 0 : i32
    %dma_start3A_10 = tpu.memref_slice %arg4[%add3A, %dma_start3A_8, %dma_start3A_9] : memref<32x80x125xi32, #tpu.memory_space<hbm>> -> memref<1x80x125xi32, #tpu.memory_space<hbm>>
    %dma_start3A_11 = tpu.memref_squeeze %dma_start3A_10 : memref<1x80x125xi32, #tpu.memory_space<hbm>> -> memref<80x125xi32, #tpu.memory_space<hbm>>
    %dma_start3A_12 = arith.constant 0 : i32
    %dma_start3A_13 = arith.constant 0 : i32
    %dma_start3A_14 = tpu.memref_slice %arg4[%add3A, %dma_start3A_12, %dma_start3A_13] : memref<32x80x125xi32, #tpu.memory_space<hbm>> -> memref<1x80x125xi32, #tpu.memory_space<hbm>>
    %dma_start3A_15 = tpu.memref_squeeze %dma_start3A_14 : memref<1x80x125xi32, #tpu.memory_space<hbm>> -> memref<80x125xi32, #tpu.memory_space<hbm>>
    tpu.enqueue_dma source(%dma_start3A_15 : memref<80x125xi32, #tpu.memory_space<hbm>>) target(%arg8 : memref<80x125xi32, #tpu.memory_space<vmem>>) target_semaphore(%arg11 : memref<!tpu.dma_semaphore, #tpu.memory_space<semaphore_mem>>)
    %dma_wait3A = arith.constant 0 : i32
    %dma_wait3A_16 = arith.constant 0 : i32
    %dma_wait3A_17 = tpu.memref_slice %arg3[%add3A, %dma_wait3A, %dma_wait3A_16] : memref<32x80x125xi32, #tpu.memory_space<hbm>> -> memref<1x80x125xi32, #tpu.memory_space<hbm>>
    %dma_wait3A_18 = tpu.memref_squeeze %dma_wait3A_17 : memref<1x80x125xi32, #tpu.memory_space<hbm>> -> memref<80x125xi32, #tpu.memory_space<hbm>>
    %dma_wait3A_19 = arith.constant 0 : i32
    %dma_wait3A_20 = arith.constant 0 : i32
    %dma_wait3A_21 = tpu.memref_slice %arg3[%add3A, %dma_wait3A_19, %dma_wait3A_20] : memref<32x80x125xi32, #tpu.memory_space<hbm>> -> memref<1x80x125xi32, #tpu.memory_space<hbm>>
    %dma_wait3A_22 = tpu.memref_squeeze %dma_wait3A_21 : memref<1x80x125xi32, #tpu.memory_space<hbm>> -> memref<80x125xi32, #tpu.memory_space<hbm>>
    tpu.wait_dma2 semaphore(%arg11 : memref<!tpu.dma_semaphore, #tpu.memory_space<semaphore_mem>>) src(%dma_wait3A_22 : memref<80x125xi32, #tpu.memory_space<hbm>>) dst(%arg7 : memref<80x125xi32, #tpu.memory_space<vmem>>)
    %dma_wait3A_23 = arith.constant 0 : i32
    %dma_wait3A_24 = arith.constant 0 : i32
    %dma_wait3A_25 = tpu.memref_slice %arg4[%add3A, %dma_wait3A_23, %dma_wait3A_24] : memref<32x80x125xi32, #tpu.memory_space<hbm>> -> memref<1x80x125xi32, #tpu.memory_space<hbm>>
    %dma_wait3A_26 = tpu.memref_squeeze %dma_wait3A_25 : memref<1x80x125xi32, #tpu.memory_space<hbm>> -> memref<80x125xi32, #tpu.memory_space<hbm>>
    %dma_wait3A_27 = arith.constant 0 : i32
    %dma_wait3A_28 = arith.constant 0 : i32
    %dma_wait3A_29 = tpu.memref_slice %arg4[%add3A, %dma_wait3A_27, %dma_wait3A_28] : memref<32x80x125xi32, #tpu.memory_space<hbm>> -> memref<1x80x125xi32, #tpu.memory_space<hbm>>
    %dma_wait3A_30 = tpu.memref_squeeze %dma_wait3A_29 : memref<1x80x125xi32, #tpu.memory_space<hbm>> -> memref<80x125xi32, #tpu.memory_space<hbm>>
    tpu.wait_dma2 semaphore(%arg11 : memref<!tpu.dma_semaphore, #tpu.memory_space<semaphore_mem>>) src(%dma_wait3A_30 : memref<80x125xi32, #tpu.memory_space<hbm>>) dst(%arg8 : memref<80x125xi32, #tpu.memory_space<vmem>>)
    %scan3A = arith.constant 0 : i32
    %scan3A_31 = arith.constant 10 : i32
    %scan3A_32 = arith.addi %scan3A, %scan3A_31 : i32
    %scan3A_33 = arith.constant 1 : i32
    scf.for %scan3A_54 = %scan3A to %scan3A_32 step %scan3A_33  : i32 {
      %mul3A_55 = arith.constant 1 : i32
      %mul3A_56 = arith.muli %scan3A_54, %mul3A_55 : i32
      %add3A_57 = arith.constant 0 : i32
      %add3A_58 = arith.addi %add3A_57, %mul3A_56 : i32
      %dma_start3A_59 = arith.constant 0 : i32
      %dma_start3A_60 = arith.constant 0 : i32
      %dma_start3A_61 = arith.constant 0 : i32
      %dma_start3A_62 = tpu.memref_slice %arg9[%dma_start3A_59, %add3A_58, %dma_start3A_60, %dma_start3A_61] : memref<2x10x125x32xf32, #tpu.memory_space<vmem>> -> memref<1x1x125x32xf32, #tpu.memory_space<vmem>>
      %dma_start3A_63 = tpu.memref_squeeze %dma_start3A_62 : memref<1x1x125x32xf32, #tpu.memory_space<vmem>> -> memref<125x32xf32, #tpu.memory_space<vmem>>
      %dma_start3A_64 = arith.constant 0 : i32
      %dma_start3A_65 = tpu.memref_slice %arg7[%add3A_58, %dma_start3A_64] : memref<80x125xi32, #tpu.memory_space<vmem>> -> memref<1x125xi32, #tpu.memory_space<vmem>>
      %dma_start3A_66 = tpu.memref_squeeze %dma_start3A_65 : memref<1x125xi32, #tpu.memory_space<vmem>> -> memref<125xi32, #tpu.memory_space<vmem>>
      %dma_start3A_67 = arith.constant 0 : i32
      %dma_start3A_68 = arith.constant 0 : i32
      %dma_start3A_69 = tpu.memref_slice %arg2[%dma_start3A_67, %dma_start3A_68] : memref<10000x32xf32, #tpu.memory_space<hbm>> -> memref<10000x32xf32, #tpu.memory_space<hbm>>
      tpu.enqueue_indirect_dma source(%dma_start3A_69 : memref<10000x32xf32, #tpu.memory_space<hbm>>) target(%dma_start3A_63 : memref<125x32xf32, #tpu.memory_space<vmem>>) offsets(%dma_start3A_66 : memref<125xi32, #tpu.memory_space<vmem>>) semaphore(%arg11 : memref<!tpu.dma_semaphore, #tpu.memory_space<semaphore_mem>>)
    }
    %scan3A_34 = arith.constant 10 : i32
    %mul3A_35 = arith.constant 625 : i32
    %mul3A_36 = arith.muli %arg1, %mul3A_35 : i32
    %mul3A_37 = arith.constant 625 : i32
    %mul3A_38 = arith.muli %arg1, %mul3A_37 : i32
    "tpu.region"() ({
      %run_scoped3A = tpu.sem_alloc : memref<!tpu.dma_semaphore, #tpu.memory_space<semaphore_mem>>
      %dma_start3A_54 = arith.constant 0 : i32
      %dma_start3A_55 = tpu.memref_slice %arg10[%mul3A_38, %dma_start3A_54] : memref<10000x32xf32, #tpu.memory_space<vmem_shared>> -> memref<625x32xf32, #tpu.memory_space<vmem_shared>>
      %dma_start3A_56 = arith.constant 0 : i32
      %dma_start3A_57 = tpu.memref_slice %arg5[%mul3A_36, %dma_start3A_56] : memref<10000x32xf32, #tpu.memory_space<hbm>> -> memref<625x32xf32, #tpu.memory_space<hbm>>
      tpu.enqueue_dma source(%dma_start3A_57 : memref<625x32xf32, #tpu.memory_space<hbm>>) target(%dma_start3A_55 : memref<625x32xf32, #tpu.memory_space<vmem_shared>>) target_semaphore(%run_scoped3A : memref<!tpu.dma_semaphore, #tpu.memory_space<semaphore_mem>>)
      %dma_wait3A_58 = arith.constant 0 : i32
      %dma_wait3A_59 = tpu.memref_slice %arg10[%mul3A_38, %dma_wait3A_58] : memref<10000x32xf32, #tpu.memory_space<vmem_shared>> -> memref<625x32xf32, #tpu.memory_space<vmem_shared>>
      %dma_wait3A_60 = arith.constant 0 : i32
      %dma_wait3A_61 = tpu.memref_slice %arg5[%mul3A_36, %dma_wait3A_60] : memref<10000x32xf32, #tpu.memory_space<hbm>> -> memref<625x32xf32, #tpu.memory_space<hbm>>
      tpu.wait_dma2 semaphore(%run_scoped3A : memref<!tpu.dma_semaphore, #tpu.memory_space<semaphore_mem>>) src(%dma_wait3A_61 : memref<625x32xf32, #tpu.memory_space<hbm>>) dst(%dma_wait3A_59 : memref<625x32xf32, #tpu.memory_space<vmem_shared>>)
      tpu.yield
    }) : () -> ()
    %barrier3A = arith.constant 0 : index
    tpu.barrier barrier_id(%barrier3A)
    %scan3A_39 = arith.constant 0 : i32
    %scan3A_40 = arith.constant 8 : i32
    %scan3A_41 = arith.addi %scan3A_39, %scan3A_40 : i32
    %scan3A_42 = arith.constant 1 : i32
    scf.for %scan3A_54 = %scan3A_39 to %scan3A_41 step %scan3A_42  : i32 {
      %mul3A_55 = arith.constant 1 : i32
      %mul3A_56 = arith.muli %scan3A_54, %mul3A_55 : i32
      %add3A_57 = arith.constant 0 : i32
      %add3A_58 = arith.addi %add3A_57, %mul3A_56 : i32
      %rem3A = arith.constant 2 : i32
      %rem3A_59 = arith.remsi %add3A_58, %rem3A : i32
      %sub3A = arith.constant 1 : i32
      %sub3A_60 = arith.subi %sub3A, %rem3A_59 : i32
      %scan3A_61 = arith.constant 0 : i32
      %scan3A_62 = arith.constant 10 : i32
      %scan3A_63 = arith.addi %scan3A_61, %scan3A_62 : i32
      %scan3A_64 = arith.constant 1 : i32
      scf.for %scan3A_77 = %scan3A_61 to %scan3A_63 step %scan3A_64  : i32 {
        %mul3A_78 = arith.constant 1 : i32
        %mul3A_79 = arith.muli %scan3A_77, %mul3A_78 : i32
        %add3A_80 = arith.constant 0 : i32
        %add3A_81 = arith.addi %add3A_80, %mul3A_79 : i32
        %dma_wait3A_82 = arith.constant 0 : i32
        %dma_wait3A_83 = arith.constant 0 : i32
        %dma_wait3A_84 = arith.constant 0 : i32
        %dma_wait3A_85 = arith.constant 0 : i32
        %dma_wait3A_86 = arith.constant 0 : i32
        %dma_wait3A_87 = tpu.memref_slice %arg9[%dma_wait3A_83, %dma_wait3A_84, %dma_wait3A_85, %dma_wait3A_86] : memref<2x10x125x32xf32, #tpu.memory_space<vmem>> -> memref<1x1x125x32xf32, #tpu.memory_space<vmem>>
        %dma_wait3A_88 = tpu.memref_squeeze %dma_wait3A_87 : memref<1x1x125x32xf32, #tpu.memory_space<vmem>> -> memref<125x32xf32, #tpu.memory_space<vmem>>
        %dma_wait3A_89 = arith.constant 0 : i32
        %dma_wait3A_90 = tpu.memref_slice %arg7[%dma_wait3A_82, %dma_wait3A_89] : memref<80x125xi32, #tpu.memory_space<vmem>> -> memref<1x125xi32, #tpu.memory_space<vmem>>
        %dma_wait3A_91 = tpu.memref_squeeze %dma_wait3A_90 : memref<1x125xi32, #tpu.memory_space<vmem>> -> memref<125xi32, #tpu.memory_space<vmem>>
        %dma_wait3A_92 = arith.constant 0 : i32
        %dma_wait3A_93 = arith.constant 0 : i32
        %dma_wait3A_94 = tpu.memref_slice %arg2[%dma_wait3A_92, %dma_wait3A_93] : memref<10000x32xf32, #tpu.memory_space<hbm>> -> memref<10000x32xf32, #tpu.memory_space<hbm>>
        tpu.wait_indirect_dma semaphore(%arg11 : memref<!tpu.dma_semaphore, #tpu.memory_space<semaphore_mem>>) src(%dma_wait3A_94 : memref<10000x32xf32, #tpu.memory_space<hbm>>) dst(%dma_wait3A_88 : memref<125x32xf32, #tpu.memory_space<vmem>>)
      }
      %scan3A_65 = arith.constant 10 : i32
      %gt3A = arith.constant 0 : i32
      %gt3A_66 = arith.cmpi sgt, %add3A_58, %gt3A : i32
      %convert_element_type3A = arith.extui %gt3A_66 : i1 to i32
      %cond3A = arith.constant 0 : i32
      %cond3A_67 = arith.cmpi ne, %convert_element_type3A, %cond3A : i32
      scf.if %cond3A_67 {
        %scan3A_77 = arith.constant 0 : i32
        %scan3A_78 = arith.constant 10 : i32
        %scan3A_79 = arith.addi %scan3A_77, %scan3A_78 : i32
        %scan3A_80 = arith.constant 1 : i32
        scf.for %scan3A_82 = %scan3A_77 to %scan3A_79 step %scan3A_80  : i32 {
          %mul3A_83 = arith.constant 1 : i32
          %mul3A_84 = arith.muli %scan3A_82, %mul3A_83 : i32
          %add3A_85 = arith.constant 0 : i32
          %add3A_86 = arith.addi %add3A_85, %mul3A_84 : i32
          %dma_wait3A_87 = arith.constant 0 : i32
          %dma_wait3A_88 = arith.constant 0 : i32
          %dma_wait3A_89 = arith.constant 0 : i32
          %dma_wait3A_90 = arith.constant 0 : i32
          %dma_wait3A_91 = arith.constant 0 : i32
          %dma_wait3A_92 = tpu.memref_slice %arg9[%dma_wait3A_88, %dma_wait3A_89, %dma_wait3A_90, %dma_wait3A_91] : memref<2x10x125x32xf32, #tpu.memory_space<vmem>> -> memref<1x1x125x32xf32, #tpu.memory_space<vmem>>
          %dma_wait3A_93 = tpu.memref_squeeze %dma_wait3A_92 : memref<1x1x125x32xf32, #tpu.memory_space<vmem>> -> memref<125x32xf32, #tpu.memory_space<vmem>>
          %dma_wait3A_94 = arith.constant 0 : i32
          %dma_wait3A_95 = tpu.memref_slice %arg7[%dma_wait3A_87, %dma_wait3A_94] : memref<80x125xi32, #tpu.memory_space<vmem>> -> memref<1x125xi32, #tpu.memory_space<vmem>>
          %dma_wait3A_96 = tpu.memref_squeeze %dma_wait3A_95 : memref<1x125xi32, #tpu.memory_space<vmem>> -> memref<125xi32, #tpu.memory_space<vmem>>
          %dma_wait3A_97 = arith.constant 0 : i32
          %dma_wait3A_98 = arith.constant 0 : i32
          %dma_wait3A_99 = tpu.memref_slice %arg2[%dma_wait3A_97, %dma_wait3A_98] : memref<10000x32xf32, #tpu.memory_space<hbm>> -> memref<10000x32xf32, #tpu.memory_space<hbm>>
          tpu.wait_indirect_dma semaphore(%arg12 : memref<!tpu.dma_semaphore, #tpu.memory_space<semaphore_mem>>) src(%dma_wait3A_99 : memref<10000x32xf32, #tpu.memory_space<hbm>>) dst(%dma_wait3A_93 : memref<125x32xf32, #tpu.memory_space<vmem>>)
        }
        %scan3A_81 = arith.constant 10 : i32
      } else {
      }
      %lt3A = arith.constant 7 : i32
      %lt3A_68 = arith.cmpi slt, %add3A_58, %lt3A : i32
      %convert_element_type3A_69 = arith.extui %lt3A_68 : i1 to i32
      %cond3A_70 = arith.constant 0 : i32
      %cond3A_71 = arith.cmpi ne, %convert_element_type3A_69, %cond3A_70 : i32
      scf.if %cond3A_71 {
        %scan3A_77 = arith.constant 0 : i32
        %scan3A_78 = arith.constant 10 : i32
        %scan3A_79 = arith.addi %scan3A_77, %scan3A_78 : i32
        %scan3A_80 = arith.constant 1 : i32
        scf.for %scan3A_82 = %scan3A_77 to %scan3A_79 step %scan3A_80  : i32 {
          %mul3A_83 = arith.constant 1 : i32
          %mul3A_84 = arith.muli %scan3A_82, %mul3A_83 : i32
          %add3A_85 = arith.constant 0 : i32
          %add3A_86 = arith.addi %add3A_85, %mul3A_84 : i32
          %add3A_87 = arith.constant 1 : i32
          %add3A_88 = arith.addi %add3A_58, %add3A_87 : i32
          %mul3A_89 = arith.constant 10 : i32
          %mul3A_90 = arith.muli %add3A_88, %mul3A_89 : i32
          %add3A_91 = arith.addi %mul3A_90, %add3A_86 : i32
          %dma_start3A_92 = arith.constant 0 : i32
          %dma_start3A_93 = arith.constant 0 : i32
          %dma_start3A_94 = tpu.memref_slice %arg9[%sub3A_60, %add3A_86, %dma_start3A_92, %dma_start3A_93] : memref<2x10x125x32xf32, #tpu.memory_space<vmem>> -> memref<1x1x125x32xf32, #tpu.memory_space<vmem>>
          %dma_start3A_95 = tpu.memref_squeeze %dma_start3A_94 : memref<1x1x125x32xf32, #tpu.memory_space<vmem>> -> memref<125x32xf32, #tpu.memory_space<vmem>>
          %dma_start3A_96 = arith.constant 0 : i32
          %dma_start3A_97 = tpu.memref_slice %arg7[%add3A_91, %dma_start3A_96] : memref<80x125xi32, #tpu.memory_space<vmem>> -> memref<1x125xi32, #tpu.memory_space<vmem>>
          %dma_start3A_98 = tpu.memref_squeeze %dma_start3A_97 : memref<1x125xi32, #tpu.memory_space<vmem>> -> memref<125xi32, #tpu.memory_space<vmem>>
          %dma_start3A_99 = arith.constant 0 : i32
          %dma_start3A_100 = arith.constant 0 : i32
          %dma_start3A_101 = tpu.memref_slice %arg2[%dma_start3A_99, %dma_start3A_100] : memref<10000x32xf32, #tpu.memory_space<hbm>> -> memref<10000x32xf32, #tpu.memory_space<hbm>>
          tpu.enqueue_indirect_dma source(%dma_start3A_101 : memref<10000x32xf32, #tpu.memory_space<hbm>>) target(%dma_start3A_95 : memref<125x32xf32, #tpu.memory_space<vmem>>) offsets(%dma_start3A_98 : memref<125xi32, #tpu.memory_space<vmem>>) semaphore(%arg11 : memref<!tpu.dma_semaphore, #tpu.memory_space<semaphore_mem>>)
        }
        %scan3A_81 = arith.constant 10 : i32
      } else {
      }
      %scan3A_72 = arith.constant 0 : i32
      %scan3A_73 = arith.constant 10 : i32
      %scan3A_74 = arith.addi %scan3A_72, %scan3A_73 : i32
      %scan3A_75 = arith.constant 1 : i32
      scf.for %scan3A_77 = %scan3A_72 to %scan3A_74 step %scan3A_75  : i32 {
        %mul3A_78 = arith.constant 1 : i32
        %mul3A_79 = arith.muli %scan3A_77, %mul3A_78 : i32
        %add3A_80 = arith.constant 0 : i32
        %add3A_81 = arith.addi %add3A_80, %mul3A_79 : i32
        %mul3A_82 = arith.constant 10 : i32
        %mul3A_83 = arith.muli %add3A_58, %mul3A_82 : i32
        %add3A_84 = arith.addi %mul3A_83, %add3A_81 : i32
        %dma_start3A_85 = arith.constant 0 : i32
        %dma_start3A_86 = arith.constant 0 : i32
        %dma_start3A_87 = tpu.memref_slice %arg9[%rem3A_59, %add3A_81, %dma_start3A_85, %dma_start3A_86] : memref<2x10x125x32xf32, #tpu.memory_space<vmem>> -> memref<1x1x125x32xf32, #tpu.memory_space<vmem>>
        %dma_start3A_88 = tpu.memref_squeeze %dma_start3A_87 : memref<1x1x125x32xf32, #tpu.memory_space<vmem>> -> memref<125x32xf32, #tpu.memory_space<vmem>>
        %dma_start3A_89 = arith.constant 0 : i32
        %dma_start3A_90 = tpu.memref_slice %arg8[%add3A_84, %dma_start3A_89] : memref<80x125xi32, #tpu.memory_space<vmem>> -> memref<1x125xi32, #tpu.memory_space<vmem>>
        %dma_start3A_91 = tpu.memref_squeeze %dma_start3A_90 : memref<1x125xi32, #tpu.memory_space<vmem>> -> memref<125xi32, #tpu.memory_space<vmem>>
        %dma_start3A_92 = arith.constant 0 : i32
        %dma_start3A_93 = arith.constant 0 : i32
        %dma_start3A_94 = tpu.memref_slice %arg10[%dma_start3A_92, %dma_start3A_93] : memref<10000x32xf32, #tpu.memory_space<vmem_shared>> -> memref<10000x32xf32, #tpu.memory_space<vmem_shared>>
        tpu.enqueue_indirect_dma source(%dma_start3A_88 : memref<125x32xf32, #tpu.memory_space<vmem>>) target(%dma_start3A_94 : memref<10000x32xf32, #tpu.memory_space<vmem_shared>>) offsets(%dma_start3A_91 : memref<125xi32, #tpu.memory_space<vmem>>) semaphore(%arg12 : memref<!tpu.dma_semaphore, #tpu.memory_space<semaphore_mem>>) {add = true}
      }
      %scan3A_76 = arith.constant 10 : i32
    }
    %scan3A_43 = arith.constant 8 : i32
    %scan3A_44 = arith.constant 0 : i32
    %scan3A_45 = arith.constant 10 : i32
    %scan3A_46 = arith.addi %scan3A_44, %scan3A_45 : i32
    %scan3A_47 = arith.constant 1 : i32
    scf.for %scan3A_54 = %scan3A_44 to %scan3A_46 step %scan3A_47  : i32 {
      %mul3A_55 = arith.constant 1 : i32
      %mul3A_56 = arith.muli %scan3A_54, %mul3A_55 : i32
      %add3A_57 = arith.constant 0 : i32
      %add3A_58 = arith.addi %add3A_57, %mul3A_56 : i32
      %dma_wait3A_59 = arith.constant 0 : i32
      %dma_wait3A_60 = arith.constant 0 : i32
      %dma_wait3A_61 = arith.constant 0 : i32
      %dma_wait3A_62 = arith.constant 0 : i32
      %dma_wait3A_63 = arith.constant 0 : i32
      %dma_wait3A_64 = tpu.memref_slice %arg9[%dma_wait3A_60, %dma_wait3A_61, %dma_wait3A_62, %dma_wait3A_63] : memref<2x10x125x32xf32, #tpu.memory_space<vmem>> -> memref<1x1x125x32xf32, #tpu.memory_space<vmem>>
      %dma_wait3A_65 = tpu.memref_squeeze %dma_wait3A_64 : memref<1x1x125x32xf32, #tpu.memory_space<vmem>> -> memref<125x32xf32, #tpu.memory_space<vmem>>
      %dma_wait3A_66 = arith.constant 0 : i32
      %dma_wait3A_67 = tpu.memref_slice %arg7[%dma_wait3A_59, %dma_wait3A_66] : memref<80x125xi32, #tpu.memory_space<vmem>> -> memref<1x125xi32, #tpu.memory_space<vmem>>
      %dma_wait3A_68 = tpu.memref_squeeze %dma_wait3A_67 : memref<1x125xi32, #tpu.memory_space<vmem>> -> memref<125xi32, #tpu.memory_space<vmem>>
      %dma_wait3A_69 = arith.constant 0 : i32
      %dma_wait3A_70 = arith.constant 0 : i32
      %dma_wait3A_71 = tpu.memref_slice %arg2[%dma_wait3A_69, %dma_wait3A_70] : memref<10000x32xf32, #tpu.memory_space<hbm>> -> memref<10000x32xf32, #tpu.memory_space<hbm>>
      tpu.wait_indirect_dma semaphore(%arg12 : memref<!tpu.dma_semaphore, #tpu.memory_space<semaphore_mem>>) src(%dma_wait3A_71 : memref<10000x32xf32, #tpu.memory_space<hbm>>) dst(%dma_wait3A_65 : memref<125x32xf32, #tpu.memory_space<vmem>>)
    }
    %scan3A_48 = arith.constant 10 : i32
    %barrier3A_49 = arith.constant 0 : index
    tpu.barrier barrier_id(%barrier3A_49)
    %mul3A_50 = arith.constant 625 : i32
    %mul3A_51 = arith.muli %arg1, %mul3A_50 : i32
    %mul3A_52 = arith.constant 625 : i32
    %mul3A_53 = arith.muli %arg1, %mul3A_52 : i32
    "tpu.region"() ({
      %run_scoped3A = tpu.sem_alloc : memref<!tpu.dma_semaphore, #tpu.memory_space<semaphore_mem>>
      %dma_start3A_54 = arith.constant 0 : i32
      %dma_start3A_55 = tpu.memref_slice %arg6[%arg0, %mul3A_53, %dma_start3A_54] : memref<2x10000x32xf32, #tpu.memory_space<hbm>> -> memref<1x625x32xf32, #tpu.memory_space<hbm>>
      %dma_start3A_56 = tpu.memref_squeeze %dma_start3A_55 : memref<1x625x32xf32, #tpu.memory_space<hbm>> -> memref<625x32xf32, #tpu.memory_space<hbm>>
      %dma_start3A_57 = arith.constant 0 : i32
      %dma_start3A_58 = tpu.memref_slice %arg10[%mul3A_51, %dma_start3A_57] : memref<10000x32xf32, #tpu.memory_space<vmem_shared>> -> memref<625x32xf32, #tpu.memory_space<vmem_shared>>
      tpu.enqueue_dma source(%dma_start3A_58 : memref<625x32xf32, #tpu.memory_space<vmem_shared>>) target(%dma_start3A_56 : memref<625x32xf32, #tpu.memory_space<hbm>>) target_semaphore(%run_scoped3A : memref<!tpu.dma_semaphore, #tpu.memory_space<semaphore_mem>>)
      %dma_wait3A_59 = arith.constant 0 : i32
      %dma_wait3A_60 = tpu.memref_slice %arg6[%arg0, %mul3A_53, %dma_wait3A_59] : memref<2x10000x32xf32, #tpu.memory_space<hbm>> -> memref<1x625x32xf32, #tpu.memory_space<hbm>>
      %dma_wait3A_61 = tpu.memref_squeeze %dma_wait3A_60 : memref<1x625x32xf32, #tpu.memory_space<hbm>> -> memref<625x32xf32, #tpu.memory_space<hbm>>
      %dma_wait3A_62 = arith.constant 0 : i32
      %dma_wait3A_63 = tpu.memref_slice %arg10[%mul3A_51, %dma_wait3A_62] : memref<10000x32xf32, #tpu.memory_space<vmem_shared>> -> memref<625x32xf32, #tpu.memory_space<vmem_shared>>
      tpu.wait_dma2 semaphore(%run_scoped3A : memref<!tpu.dma_semaphore, #tpu.memory_space<semaphore_mem>>) src(%dma_wait3A_63 : memref<625x32xf32, #tpu.memory_space<vmem_shared>>) dst(%dma_wait3A_61 : memref<625x32xf32, #tpu.memory_space<hbm>>)
      tpu.yield
    }) : () -> ()
    return
  }
}

module attributes {stable_mosaic.version = 14 : i64} {
  func.func @_l1_body(%arg0: i32, %arg1: memref<2000x128xf32, #tpu.memory_space<vmem>>, %arg2: memref<128x32xf32, #tpu.memory_space<vmem>>, %arg3: memref<2000x32xf32, #tpu.memory_space<vmem>>) attributes {dimension_semantics = [#tpu.dimension_semantics<arbitrary>], iteration_bounds = array<i64: 5>, scalar_prefetch = 0 : i64, scratch_operands = 0 : i64, tpu.core_type = #tpu.core_type<tc>, window_params = [{transform_indices = @transform_0, window_bounds = array<i64: 2000, 128>}, {pipeline_mode = #tpu.pipeline_mode<synchronous>, transform_indices = @transform_1, window_bounds = array<i64: 128, 32>}, {transform_indices = @transform_2, window_bounds = array<i64: 2000, 32>}]} {
    %get3A = arith.constant 0 : index
    %get3A_0 = arith.constant 0 : index
    %get3A_1 = vector.load %arg1[%get3A, %get3A_0] : memref<2000x128xf32, #tpu.memory_space<vmem>>, vector<2000x128xf32>
    %get3A_2 = arith.constant 0 : index
    %get3A_3 = arith.constant 0 : index
    %get3A_4 = vector.load %arg2[%get3A_2, %get3A_3] : memref<128x32xf32, #tpu.memory_space<vmem>>, vector<128x32xf32>
    %dot_general3A = arith.constant dense<0.000000e+00> : vector<2000x32xf32>
    %dot_general3A_5 = tpu.matmul %get3A_1, %get3A_4, %dot_general3A {dimension_numbers = #tpu.dot_dimension_numbers<[1], [0], [0], [1], [0, 0, 1, 1], [], []>, transpose_lhs_hint = false} : vector<2000x128xf32>, vector<128x32xf32>, vector<2000x32xf32> -> vector<2000x32xf32>
    %swap3A = arith.constant 0 : index
    %swap3A_6 = arith.constant 0 : index
    %swap3A_7 = vector.load %arg3[%swap3A, %swap3A_6] : memref<2000x32xf32, #tpu.memory_space<vmem>>, vector<2000x32xf32>
    tpu.vector_store %arg3[%swap3A, %swap3A_6], %dot_general3A_5 {strides = array<i32>} : memref<2000x32xf32, #tpu.memory_space<vmem>>, vector<2000x32xf32>,
    return
  }
  func.func @transform_0(%arg0: i32) -> (i32, i32) {
    %c0_i32 = arith.constant 0 : i32
    %c0_i32_0 = arith.constant 0 : i32
    return %arg0, %c0_i32 : i32, i32
  }
  func.func @transform_1(%arg0: i32) -> (i32, i32) {
    %c0_i32 = arith.constant 0 : i32
    %c0_i32_0 = arith.constant 0 : i32
    %c0_i32_1 = arith.constant 0 : i32
    return %c0_i32, %c0_i32_0 : i32, i32
  }
  func.func @transform_2(%arg0: i32) -> (i32, i32) {
    %c0_i32 = arith.constant 0 : i32
    %c0_i32_0 = arith.constant 0 : i32
    return %arg0, %c0_i32 : i32, i32
  }
}

module attributes {stable_mosaic.version = 14 : i64} {
  func.func @_norms_body(%arg0: memref<32x10000xf32, #tpu.memory_space<vmem>>, %arg1: memref<32x10000xf32, #tpu.memory_space<vmem>>, %arg2: memref<10000x32xf32, #tpu.memory_space<vmem>>, %arg3: memref<10000x1xf32, #tpu.memory_space<vmem>>, %arg4: memref<10000x1xf32, #tpu.memory_space<vmem>>, %arg5: memref<10000x32xf32, #tpu.memory_space<vmem>>) attributes {dimension_semantics = [], scalar_prefetch = 0 : i64, scratch_operands = 0 : i64, tpu.core_type = #tpu.core_type<tc>} {
    %get3A = arith.constant 0 : index
    %get3A_0 = arith.constant 0 : index
    %get3A_1 = vector.load %arg0[%get3A, %get3A_0] : memref<32x10000xf32, #tpu.memory_space<vmem>>, vector<32x10000xf32>
    %reduce_sum3A = arith.constant dense<0.000000e+00> : vector<10000xf32>
    %reduce_sum3A_2 = vector.multi_reduction <add>, %get3A_1, %reduce_sum3A [0] : vector<32x10000xf32> to vector<10000xf32>
    %add3A = arith.constant 1.000000e+00 : f32
    %add3A_3 = vector.broadcast %add3A : f32 to vector<10000xf32>
    %add3A_4 = arith.addf %reduce_sum3A_2, %add3A_3 : vector<10000xf32>
    %get3A_5 = arith.constant 0 : index
    %get3A_6 = arith.constant 0 : index
    %get3A_7 = vector.load %arg1[%get3A_5, %get3A_6] : memref<32x10000xf32, #tpu.memory_space<vmem>>, vector<32x10000xf32>
    %reduce_sum3A_8 = arith.constant dense<0.000000e+00> : vector<10000xf32>
    %reduce_sum3A_9 = vector.multi_reduction <add>, %get3A_7, %reduce_sum3A_8 [0] : vector<32x10000xf32> to vector<10000xf32>
    %add3A_10 = arith.constant 1.000000e+00 : f32
    %add3A_11 = vector.broadcast %add3A_10 : f32 to vector<10000xf32>
    %add3A_12 = arith.addf %reduce_sum3A_9, %add3A_11 : vector<10000xf32>
    %rsqrt3A = math.rsqrt %add3A_4 : vector<10000xf32>
    %broadcast_in_dim3A = vector.shape_cast %rsqrt3A : vector<10000xf32> to vector<10000x1xf32>
    %swap3A = arith.constant 0 : index
    %swap3A_13 = arith.constant 0 : index
    %swap3A_14 = vector.load %arg3[%swap3A, %swap3A_13] : memref<10000x1xf32, #tpu.memory_space<vmem>>, vector<10000x1xf32>
    tpu.vector_store %arg3[%swap3A, %swap3A_13], %broadcast_in_dim3A {strides = array<i32>} : memref<10000x1xf32, #tpu.memory_space<vmem>>, vector<10000x1xf32>,
    %rsqrt3A_15 = math.rsqrt %add3A_12 : vector<10000xf32>
    %broadcast_in_dim3A_16 = vector.shape_cast %rsqrt3A_15 : vector<10000xf32> to vector<10000x1xf32>
    %swap3A_17 = arith.constant 0 : index
    %swap3A_18 = arith.constant 0 : index
    %swap3A_19 = vector.load %arg4[%swap3A_17, %swap3A_18] : memref<10000x1xf32, #tpu.memory_space<vmem>>, vector<10000x1xf32>
    tpu.vector_store %arg4[%swap3A_17, %swap3A_18], %broadcast_in_dim3A_16 {strides = array<i32>} : memref<10000x1xf32, #tpu.memory_space<vmem>>, vector<10000x1xf32>,
    %get3A_20 = arith.constant 0 : index
    %get3A_21 = arith.constant 0 : index
    %get3A_22 = vector.load %arg2[%get3A_20, %get3A_21] : memref<10000x32xf32, #tpu.memory_space<vmem>>, vector<10000x32xf32>
    %mul3A = vector.broadcast %broadcast_in_dim3A : vector<10000x1xf32> to vector<10000x32xf32>
    %mul3A_23 = arith.mulf %get3A_22, %mul3A : vector<10000x32xf32>
    %swap3A_24 = arith.constant 0 : index
    %swap3A_25 = arith.constant 0 : index
    %swap3A_26 = vector.load %arg5[%swap3A_24, %swap3A_25] : memref<10000x32xf32, #tpu.memory_space<vmem>>, vector<10000x32xf32>
    tpu.vector_store %arg5[%swap3A_24, %swap3A_25], %mul3A_23 {strides = array<i32>} : memref<10000x32xf32, #tpu.memory_space<vmem>>, vector<10000x32xf32>,
    return
  }
}

module attributes {stable_mosaic.version = 14 : i64} {
  func.func @_l2_body(%arg0: i32, %arg1: memref<2x2000x32xf32, #tpu.memory_space<vmem>>, %arg2: memref<2000x32xf32, #tpu.memory_space<vmem>>, %arg3: memref<2000x1xf32, #tpu.memory_space<vmem>>, %arg4: memref<1x32xf32, #tpu.memory_space<vmem>>, %arg5: memref<32x16xf32, #tpu.memory_space<vmem>>, %arg6: memref<2000x1xf32, #tpu.memory_space<vmem>>, %arg7: memref<2000x16xf32, #tpu.memory_space<vmem>>) attributes {dimension_semantics = [#tpu.dimension_semantics<arbitrary>], iteration_bounds = array<i64: 5>, scalar_prefetch = 0 : i64, scratch_operands = 0 : i64, tpu.core_type = #tpu.core_type<tc>, window_params = [{transform_indices = @transform_0, window_bounds = array<i64: 2, 2000, 32>}, {transform_indices = @transform_1, window_bounds = array<i64: 2000, 32>}, {transform_indices = @transform_2, window_bounds = array<i64: 2000, 1>}, {pipeline_mode = #tpu.pipeline_mode<synchronous>, transform_indices = @transform_3, window_bounds = array<i64: 1, 32>}, {pipeline_mode = #tpu.pipeline_mode<synchronous>, transform_indices = @transform_4, window_bounds = array<i64: 32, 16>}, {transform_indices = @transform_5, window_bounds = array<i64: 2000, 1>}, {transform_indices = @transform_6, window_bounds = array<i64: 2000, 16>}]} {
    %get3A = arith.constant 0 : index
    %get3A_0 = arith.constant 0 : index
    %get3A_1 = arith.constant 0 : index
    %get3A_2 = vector.load %arg1[%get3A, %get3A_0, %get3A_1] : memref<2x2000x32xf32, #tpu.memory_space<vmem>>, vector<1x2000x32xf32>
    %get3A_3 = vector.shape_cast %get3A_2 : vector<1x2000x32xf32> to vector<2000x32xf32>
    %get3A_4 = arith.constant 1 : index
    %get3A_5 = arith.constant 0 : index
    %get3A_6 = arith.constant 0 : index
    %get3A_7 = vector.load %arg1[%get3A_4, %get3A_5, %get3A_6] : memref<2x2000x32xf32, #tpu.memory_space<vmem>>, vector<1x2000x32xf32>
    %get3A_8 = vector.shape_cast %get3A_7 : vector<1x2000x32xf32> to vector<2000x32xf32>
    %add3A = arith.addf %get3A_3, %get3A_8 : vector<2000x32xf32>
    %get3A_9 = arith.constant 0 : index
    %get3A_10 = arith.constant 0 : index
    %get3A_11 = vector.load %arg2[%get3A_9, %get3A_10] : memref<2000x32xf32, #tpu.memory_space<vmem>>, vector<2000x32xf32>
    %add3A_12 = arith.addf %add3A, %get3A_11 : vector<2000x32xf32>
    %get3A_13 = arith.constant 0 : index
    %get3A_14 = arith.constant 0 : index
    %get3A_15 = vector.load %arg3[%get3A_13, %get3A_14] : memref<2000x1xf32, #tpu.memory_space<vmem>>, vector<2000x1xf32>
    %mul3A = vector.broadcast %get3A_15 : vector<2000x1xf32> to vector<2000x32xf32>
    %mul3A_16 = arith.mulf %add3A_12, %mul3A : vector<2000x32xf32>
    %get3A_17 = arith.constant 0 : index
    %get3A_18 = arith.constant 0 : index
    %get3A_19 = vector.load %arg4[%get3A_17, %get3A_18] : memref<1x32xf32, #tpu.memory_space<vmem>>, vector<1x32xf32>
    %add3A_20 = vector.broadcast %get3A_19 : vector<1x32xf32> to vector<2000x32xf32>
    %add3A_21 = arith.addf %mul3A_16, %add3A_20 : vector<2000x32xf32>
    %max3A = arith.constant 0.000000e+00 : f32
    %max3A_22 = vector.broadcast %max3A : f32 to vector<2000x32xf32>
    %max3A_23 = arith.maximumf %add3A_21, %max3A_22 : vector<2000x32xf32>
    %get3A_24 = arith.constant 0 : index
    %get3A_25 = arith.constant 0 : index
    %get3A_26 = vector.load %arg5[%get3A_24, %get3A_25] : memref<32x16xf32, #tpu.memory_space<vmem>>, vector<32x16xf32>
    %dot_general3A = arith.constant dense<0.000000e+00> : vector<2000x16xf32>
    %dot_general3A_27 = tpu.matmul %max3A_23, %get3A_26, %dot_general3A {dimension_numbers = #tpu.dot_dimension_numbers<[1], [0], [0], [1], [0, 0, 1, 1], [], []>, transpose_lhs_hint = false} : vector<2000x32xf32>, vector<32x16xf32>, vector<2000x16xf32> -> vector<2000x16xf32>
    %get3A_28 = arith.constant 0 : index
    %get3A_29 = arith.constant 0 : index
    %get3A_30 = vector.load %arg6[%get3A_28, %get3A_29] : memref<2000x1xf32, #tpu.memory_space<vmem>>, vector<2000x1xf32>
    %mul3A_31 = vector.broadcast %get3A_30 : vector<2000x1xf32> to vector<2000x16xf32>
    %mul3A_32 = arith.mulf %dot_general3A_27, %mul3A_31 : vector<2000x16xf32>
    %swap3A = arith.constant 0 : index
    %swap3A_33 = arith.constant 0 : index
    %swap3A_34 = vector.load %arg7[%swap3A, %swap3A_33] : memref<2000x16xf32, #tpu.memory_space<vmem>>, vector<2000x16xf32>
    tpu.vector_store %arg7[%swap3A, %swap3A_33], %mul3A_32 {strides = array<i32>} : memref<2000x16xf32, #tpu.memory_space<vmem>>, vector<2000x16xf32>,
    return
  }
  func.func @transform_0(%arg0: i32) -> (i32, i32, i32) {
    %c0_i32 = arith.constant 0 : i32
    %c0_i32_0 = arith.constant 0 : i32
    %c0_i32_1 = arith.constant 0 : i32
    return %c0_i32, %arg0, %c0_i32_0 : i32, i32, i32
  }
  func.func @transform_1(%arg0: i32) -> (i32, i32) {
    %c0_i32 = arith.constant 0 : i32
    %c0_i32_0 = arith.constant 0 : i32
    return %arg0, %c0_i32 : i32, i32
  }
  func.func @transform_2(%arg0: i32) -> (i32, i32) {
    %c0_i32 = arith.constant 0 : i32
    %c0_i32_0 = arith.constant 0 : i32
    return %arg0, %c0_i32 : i32, i32
  }
  func.func @transform_3(%arg0: i32) -> (i32, i32) {
    %c0_i32 = arith.constant 0 : i32
    %c0_i32_0 = arith.constant 0 : i32
    %c0_i32_1 = arith.constant 0 : i32
    return %c0_i32, %c0_i32_0 : i32, i32
  }
  func.func @transform_4(%arg0: i32) -> (i32, i32) {
    %c0_i32 = arith.constant 0 : i32
    %c0_i32_0 = arith.constant 0 : i32
    %c0_i32_1 = arith.constant 0 : i32
    return %c0_i32, %c0_i32_0 : i32, i32
  }
  func.func @transform_5(%arg0: i32) -> (i32, i32) {
    %c0_i32 = arith.constant 0 : i32
    %c0_i32_0 = arith.constant 0 : i32
    return %arg0, %c0_i32 : i32, i32
  }
  func.func @transform_6(%arg0: i32) -> (i32, i32) {
    %c0_i32 = arith.constant 0 : i32
    %c0_i32_0 = arith.constant 0 : i32
    return %arg0, %c0_i32 : i32, i32
  }
}

module attributes {stable_mosaic.version = 14 : i64} {
  func.func @_out_body(%arg0: i32, %arg1: memref<2x2000x16xf32, #tpu.memory_space<vmem>>, %arg2: memref<2000x16xf32, #tpu.memory_space<vmem>>, %arg3: memref<2000x1xf32, #tpu.memory_space<vmem>>, %arg4: memref<1x16xf32, #tpu.memory_space<vmem>>, %arg5: memref<2000x16xf32, #tpu.memory_space<vmem>>) attributes {dimension_semantics = [#tpu.dimension_semantics<arbitrary>], iteration_bounds = array<i64: 5>, scalar_prefetch = 0 : i64, scratch_operands = 0 : i64, tpu.core_type = #tpu.core_type<tc>, window_params = [{transform_indices = @transform_0, window_bounds = array<i64: 2, 2000, 16>}, {transform_indices = @transform_1, window_bounds = array<i64: 2000, 16>}, {transform_indices = @transform_2, window_bounds = array<i64: 2000, 1>}, {pipeline_mode = #tpu.pipeline_mode<synchronous>, transform_indices = @transform_3, window_bounds = array<i64: 1, 16>}, {transform_indices = @transform_4, window_bounds = array<i64: 2000, 16>}]} {
    %get3A = arith.constant 0 : index
    %get3A_0 = arith.constant 0 : index
    %get3A_1 = arith.constant 0 : index
    %get3A_2 = vector.load %arg1[%get3A, %get3A_0, %get3A_1] : memref<2x2000x16xf32, #tpu.memory_space<vmem>>, vector<1x2000x16xf32>
    %get3A_3 = vector.shape_cast %get3A_2 : vector<1x2000x16xf32> to vector<2000x16xf32>
    %get3A_4 = arith.constant 1 : index
    %get3A_5 = arith.constant 0 : index
    %get3A_6 = arith.constant 0 : index
    %get3A_7 = vector.load %arg1[%get3A_4, %get3A_5, %get3A_6] : memref<2x2000x16xf32, #tpu.memory_space<vmem>>, vector<1x2000x16xf32>
    %get3A_8 = vector.shape_cast %get3A_7 : vector<1x2000x16xf32> to vector<2000x16xf32>
    %add3A = arith.addf %get3A_3, %get3A_8 : vector<2000x16xf32>
    %get3A_9 = arith.constant 0 : index
    %get3A_10 = arith.constant 0 : index
    %get3A_11 = vector.load %arg2[%get3A_9, %get3A_10] : memref<2000x16xf32, #tpu.memory_space<vmem>>, vector<2000x16xf32>
    %add3A_12 = arith.addf %add3A, %get3A_11 : vector<2000x16xf32>
    %get3A_13 = arith.constant 0 : index
    %get3A_14 = arith.constant 0 : index
    %get3A_15 = vector.load %arg3[%get3A_13, %get3A_14] : memref<2000x1xf32, #tpu.memory_space<vmem>>, vector<2000x1xf32>
    %mul3A = vector.broadcast %get3A_15 : vector<2000x1xf32> to vector<2000x16xf32>
    %mul3A_16 = arith.mulf %add3A_12, %mul3A : vector<2000x16xf32>
    %get3A_17 = arith.constant 0 : index
    %get3A_18 = arith.constant 0 : index
    %get3A_19 = vector.load %arg4[%get3A_17, %get3A_18] : memref<1x16xf32, #tpu.memory_space<vmem>>, vector<1x16xf32>
    %add3A_20 = vector.broadcast %get3A_19 : vector<1x16xf32> to vector<2000x16xf32>
    %add3A_21 = arith.addf %mul3A_16, %add3A_20 : vector<2000x16xf32>
    %reduce_max3A = arith.constant dense<0xFF800000> : vector<2000xf32>
    %reduce_max3A_22 = vector.multi_reduction <maximumf>, %add3A_21, %reduce_max3A [1] : vector<2000x16xf32> to vector<2000xf32>
    %broadcast_in_dim3A = vector.shape_cast %reduce_max3A_22 : vector<2000xf32> to vector<2000x1xf32>
    %sub3A = vector.broadcast %broadcast_in_dim3A : vector<2000x1xf32> to vector<2000x16xf32>
    %sub3A_23 = arith.subf %add3A_21, %sub3A : vector<2000x16xf32>
    %exp3A = math.exp %sub3A_23 : vector<2000x16xf32>
    %sub3A_24 = vector.broadcast %broadcast_in_dim3A : vector<2000x1xf32> to vector<2000x16xf32>
    %sub3A_25 = arith.subf %add3A_21, %sub3A_24 : vector<2000x16xf32>
    %reduce_sum3A = arith.constant dense<0.000000e+00> : vector<2000xf32>
    %reduce_sum3A_26 = vector.multi_reduction <add>, %exp3A, %reduce_sum3A [1] : vector<2000x16xf32> to vector<2000xf32>
    %broadcast_in_dim3A_27 = vector.shape_cast %reduce_sum3A_26 : vector<2000xf32> to vector<2000x1xf32>
    %log3A = math.log %broadcast_in_dim3A_27 : vector<2000x1xf32>
    %sub3A_28 = vector.broadcast %log3A : vector<2000x1xf32> to vector<2000x16xf32>
    %sub3A_29 = arith.subf %sub3A_25, %sub3A_28 : vector<2000x16xf32>
    %swap3A = arith.constant 0 : index
    %swap3A_30 = arith.constant 0 : index
    %swap3A_31 = vector.load %arg5[%swap3A, %swap3A_30] : memref<2000x16xf32, #tpu.memory_space<vmem>>, vector<2000x16xf32>
    tpu.vector_store %arg5[%swap3A, %swap3A_30], %sub3A_29 {strides = array<i32>} : memref<2000x16xf32, #tpu.memory_space<vmem>>, vector<2000x16xf32>,
    return
  }
  func.func @transform_0(%arg0: i32) -> (i32, i32, i32) {
    %c0_i32 = arith.constant 0 : i32
    %c0_i32_0 = arith.constant 0 : i32
    %c0_i32_1 = arith.constant 0 : i32
    return %c0_i32, %arg0, %c0_i32_0 : i32, i32, i32
  }
  func.func @transform_1(%arg0: i32) -> (i32, i32) {
    %c0_i32 = arith.constant 0 : i32
    %c0_i32_0 = arith.constant 0 : i32
    return %arg0, %c0_i32 : i32, i32
  }
  func.func @transform_2(%arg0: i32) -> (i32, i32) {
    %c0_i32 = arith.constant 0 : i32
    %c0_i32_0 = arith.constant 0 : i32
    return %arg0, %c0_i32 : i32, i32
  }
  func.func @transform_3(%arg0: i32) -> (i32, i32) {
    %c0_i32 = arith.constant 0 : i32
    %c0_i32_0 = arith.constant 0 : i32
    %c0_i32_1 = arith.constant 0 : i32
    return %c0_i32, %c0_i32_0 : i32, i32
  }
  func.func @transform_4(%arg0: i32) -> (i32, i32) {
    %c0_i32 = arith.constant 0 : i32
    %c0_i32_0 = arith.constant 0 : i32
    return %arg0, %c0_i32 : i32, i32
  }
}

</mosaic_0001>

<sc_bundles>
// kernel: kernel.12.cloned.1.call-start
scs
__scs_entry_jumppad:
0x0: {  	(pc) =	sbr.rel $0x88, $3  }
0x1: {  	(tag) =	ssettag $0x0;
	lr =	simm.s32 $0x1  }
0x2: {  	[smem:$0x3F9B] =	sst lr;
	_ =	strace $0xD0000000  }
0x3: {  	_ = 	snop  }
0x4: {  	_ = 	snop  }
0x5: {  	_ = 	snop  }
0x6: {  	_ = 	snop  }
0x7: {  	_ = 	snop  }
__scs_overlays_trampoline_lowered:
0x8: {  	[smem:$0x3FAA] =	sst s0  }
0x9: {  	[smem:$0x3FAB] =	sst s1  }
0xa: {  	[smem:$0x3FAC] =	sst s2  }
0xb: {  	[smem:$0x3FAD] =	sst s3  }
0xc: {  	[smem:$0x3FAE] =	sst s4  }
0xd: {  	[smem:$0x3FAF] =	sst s5  }
0xe: {  	[smem:$0x3FB0] =	sst s6  }
0xf: {  	[smem:$0x3FB1] =	sst s7  }
0x10: {  	[smem:$0x3FB2] =	sst s8  }
0x11: {  	[smem:$0x3FB3] =	sst s9;
	s0 =	simm.s32 @!p0 $0x0  }
0x12: {  	s1 =	sld [smem:$0x3F99];
	s0 =	simm.s32 @p0 $0x1  }
0x13: {  	[smem:$0x3FB4] =	sst s0;
	s0 =	simm.s32 @!p1 $0x0  }
0x14: {  	s2 =	sld [smem:$0x3F98];
	s0 =	simm.s32 @p1 $0x1  }
0x15: {  	[smem:$0x3FB5] =	sst s0;
	s0 =	simm.s32 @!p2 $0x0  }
0x16: {  	s3 =	sld [smem:$0x3FDB];
	s0 =	simm.s32 @p2 $0x1  }
0x17: {  	s4 =	simm.s32 $0x1BF5;
	[smem:$0x3FB7] =	sst s0  }
0x18: {  	s0 =	sld [smem:$0x3F9A];
	_ =	swait.ge [sflag:s4], $0x0  }
0x19: {  	s7 =	sld [smem:$0x3F9B]  }
0x1a: {  	s8 =	sadd.s32 $0xFFFFE003, lr  }
0x1b: {  	s9 =	sadd.s32 $0xFFFFFEF7, lr;
	s5 =	simm.s32 $0xFFFFFFFF;
	p2 =	slt.u32 s8, $0xFFFFF086  }
0x1c: {  	p1 =	slt.u32 s9, $0xF7A;
	s5 =	simm.s32 @!p2 $0x0  }
0x1d: {  	s5 =	simm.s32 @p1 $0x1;
	p0 =	seq.s32 s7, s2  }
0x1e: {  	s7 =	smul.u32 @!p0 $0xF7A, s2;
	p2 =	seq.s32 @!p0 s5, $0x0  }
0x1f: {  	s9 =	smul.u32 $0xF7A, s1;
	s8 =	simm.s32 @!p0 $0x1BF5;
	p2 =	por !p2, p0  }
0x20: {  	[sflag:s8] =	ssyncset.s32 @!p0 $0xFFFFF086;
	s6 =	sadd.s32 @!p0 s3, s7;
	s7 =	simm.s32 @!p0 $0x108  }
0x21: {  	s3 =	sadd.s32 s3, s9;
	s6 =	sadd.s32 @!p0 $0x88, s6;
	s7 =	simm.s32 @p2 $0x1082  }
0x22: {  	[simem:s7], [sflag:s8] =	dma.local @!p0 [hbm:s6], $0xF7A  }
0x23: {  	s9 =	sor.u32 $0xD0000000, s2;
	s6 =	simm.s32 $0x108;
	_ =	swait.ge @!p0 [sflag:s8], $0x0  }
0x24: {  	s3 =	sadd.s32 $0x88, s3;
	s6 =	simm.s32 @!p1 $0x1082;
	[sflag:s4] =	ssyncset.s32 $0xFFFFF086  }
0x25: {  	[simem:s6], [sflag:s4] =	dma.local [hbm:s3], $0xF7A  }
0x26: {  	[smem:$0x3F9B] =	sst s1;
	(tag) =	ssettag s2;
	_ =	strace s9  }
0x27: {  	s1 =	sld [smem:$0x3FAB]  }
0x28: {  	s2 =	sld [smem:$0x3FAC]  }
0x29: {  	s4 =	sld [smem:$0x3FAE]  }
0x2a: {  	p0 =	seq.s32 s5, $0x0;
	s5 =	sld [smem:$0x3FAF]  }
0x2b: {  	s6 =	sld [smem:$0x3FB0]  }
0x2c: {  	s7 =	sld [smem:$0x3FB1]  }
0x2d: {  	s3 =	simm.s32 $0x108;
	s8 =	sld [smem:$0x3FB2]  }
0x2e: {  	s3 =	simm.s32 @!p0 $0x1082;
	s9 =	sld [smem:$0x3FB3]  }
0x2f: {  	lr =	sadd.s32 s0, s3;
	s0 =	sld [smem:$0x3FAA]  }
0x30: {  	s3 =	sld [smem:$0x3FAD]  }
0x31: {  	[smem:$0x3FB6] =	sst s10  }
0x32: {  	s10 =	sld [smem:$0x3FB4];
	_ =	sdelay $0x3  }
0x33: {  	p0 =	seq.s32 s10, $0x1;
	s10 =	sld [smem:$0x3FB6];
	_ =	sdelay $0x3  }
0x34: {  	[smem:$0x3FB6] =	sst s10  }
0x35: {  	s10 =	sld [smem:$0x3FB5];
	_ =	sdelay $0x3  }
0x36: {  	p1 =	seq.s32 s10, $0x1;
	s10 =	sld [smem:$0x3FB6];
	_ =	sdelay $0x3  }
0x37: {  	[smem:$0x3FB6] =	sst s10  }
0x38: {  	s10 =	sld [smem:$0x3FB7]  }
0x39: {  	_ = 	snop;
	(pc) =	sbr.ind lr, $3  }
0x3a: {  	_ = 	snop  }
0x3b: {  	_ = 	snop  }
0x3c: {  	p2 =	seq.s32 s10, $0x1;
	s10 =	sld [smem:$0x3FB6]  }
0x3d: {  	_ =	shalt  }
0x3e: {  	_ =	shalt  }
0x3f: {  	_ =	shalt  }
0x40: {  	_ =	shalt  }
0x41: {  	_ =	shalt  }
0x42: {  	_ =	shalt  }
0x43: {  	_ =	shalt  }
0x44: {  	_ =	shalt  }
0x45: {  	_ =	shalt  }
0x46: {  	_ =	shalt  }
0x47: {  	_ =	shalt  }
0x48: {  	_ =	shalt  }
0x49: {  	_ =	shalt  }
0x4a: {  	_ =	shalt  }
0x4b: {  	_ =	shalt  }
0x4c: {  	_ =	shalt  }
0x4d: {  	_ =	shalt  }
0x4e: {  	_ =	shalt  }
0x4f: {  	_ =	shalt  }
0x50: {  	_ =	shalt  }
0x51: {  	_ =	shalt  }
0x52: {  	_ =	shalt  }
0x53: {  	_ =	shalt  }
0x54: {  	_ =	shalt  }
0x55: {  	_ =	shalt  }
0x56: {  	_ =	shalt  }
0x57: {  	_ =	shalt  }
0x58: {  	_ =	shalt  }
0x59: {  	_ =	shalt  }
0x5a: {  	_ =	shalt  }
0x5b: {  	_ =	shalt  }
0x5c: {  	_ =	shalt  }
0x5d: {  	_ =	shalt  }
0x5e: {  	_ =	shalt  }
0x5f: {  	_ =	shalt  }
0x60: {  	_ =	shalt  }
0x61: {  	_ =	shalt  }
0x62: {  	_ =	shalt  }
0x63: {  	_ =	shalt  }
0x64: {  	_ =	shalt  }
0x65: {  	_ =	shalt  }
0x66: {  	_ =	shalt  }
0x67: {  	_ =	shalt  }
0x68: {  	_ =	shalt  }
0x69: {  	_ =	shalt  }
0x6a: {  	_ =	shalt  }
0x6b: {  	_ =	shalt  }
0x6c: {  	_ =	shalt  }
0x6d: {  	_ =	shalt  }
0x6e: {  	_ =	shalt  }
0x6f: {  	_ =	shalt  }
0x70: {  	_ =	shalt  }
0x71: {  	_ =	shalt  }
0x72: {  	_ =	shalt  }
0x73: {  	_ =	shalt  }
0x74: {  	_ =	shalt  }
0x75: {  	_ =	shalt  }
0x76: {  	_ =	shalt  }
0x77: {  	_ =	shalt  }
0x78: {  	_ =	shalt  }
0x79: {  	_ =	shalt  }
0x7a: {  	_ =	shalt  }
0x7b: {  	_ =	shalt  }
0x7c: {  	_ =	shalt  }
0x7d: {  	_ =	shalt  }
0x7e: {  	_ =	shalt  }
0x7f: {  	_ =	shalt  }
0x80: {  	_ =	shalt  }
0x81: {  	_ =	shalt  }
0x82: {  	_ =	shalt  }
0x83: {  	_ =	shalt  }
0x84: {  	_ =	shalt  }
0x85: {  	_ =	shalt  }
0x86: {  	_ =	shalt  }
0x87: {  	_ =	shalt  }
.Lfunc_end0:
.L_simem_size_0:
called_computation.1_lowered:
.L_overlay_start_0:
0x88: {  	s2 =	sld [smem:$0x3FD9]  }
0x89: {  	s3 =	sld [smem:$0x3FFE];
	_ =	sdelay $0x1  }
0x8a: {  	s1 =	srdreg.scid  }
0x8b: {  	s0 =	sand.u32 $0x1, s1  }
0x8c: {  	s16 =	sshll.u32 s0, $0xA;
	s2 =	sadd.s32 s3, s2  }
0x8d: {  	s2 =	sadd.s32 s2, s16  }
0x8e: {  	[smem:$0x3FC2] =	sst s2  }
0x8f: {  	_ = 	snop  }
0x90: {  	(tm) =	ssettm $0x1  }
0x91: {  	s17 =	sld [smem:$0x3FFB];
	_ =	sdelay $0x3  }
0x92: {  	_ =	strace s17  }
0x93: {  	s2 =	sld [smem:$0x3FFC];
	_ =	sdelay $0x3  }
0x94: {  	_ =	strace s2  }
0x95: {  	s2 =	sld [smem:$0x3FFD];
	_ =	sdelay $0x3  }
0x96: {  	_ =	strace s2  }
0x97: {  	_ =	strace $0x8FFFFFFF  }
0x98: {  	s18 =	sld [smem:$0x3FDB];
	_ =	sdelay $0x1  }
0x99: {  	s19 =	simm.s32 $_scs_section_size  }
0x9a: {  	s4 =	simm.s32 $_size__tile_overlayer_lowered;
	s5 =	simm.s32 $_tile_overlayer_lowered  }
0x9b: {  	s22 =	simm.s32 $0x1BFF;
	s21 =	sshll.u32 s5, $0x1;
	s2 =	sadd.s32 s19, s18  }
0x9c: {  	s6 =	simm.s32 $0x0;
	s20 =	sshll.u32 s4, $0x1;
	s4 =	sadd.s32 s21, s2  }
0x9d: {  	[timem:s6], [sflag:s22] =	dma.local [hbm:s4], s20  }
0x9e: {  	_ =	swait.ge [sflag:s22], s20  }
0x9f: {  	s3 =	ssub.s32 $0x0, s20;
	[sflag:s22] =	ssyncset.done $0x0  }
0xa0: {  	[sflag:s22] =	ssyncadd.s32 s3;
	_ =	sdelay $0x1  }
0xa1: {  	s23 =	simm.s32 $0x1B8B  }
0xa2: {  	_ =	swait.ge [sflag:s23], $0x1  }
0xa3: {  	[sflag:s23] =	ssyncset.done $0x0  }
0xa4: {  	s25 =	simm.s32 $0x1B8E;
	s24 =	sld [smem:$0x3FFE];
	[sflag:s23] =	ssyncadd.s32 $0xFFFFFFFF  }
0xa5: {  	s26 =	simm.s32 $execute0_lowered;
	[smem:$0x3FD2] =	sst s25  }
0xa6: {  	s4 =	sshll.u32 s26, $0x1;
	_ =	strace $0x80000049;
	[dreg:$0x1] =	wrdreg $0xFFFFFFFF  }
0xa7: {  	s28 =	simm.s32 $_size_execute0_lowered;
	s2 =	sadd.s32 s2, s4;
	[dreg:$0x0] =	wrdreg $0x0  }
0xa8: {  	s4 =	sshll.u32 s28, $0x1;
	[dreg:$0x2] =	wrdreg s2  }
0xa9: {  	[dreg:$0x3] =	wrdreg s4  }
0xaa: {  	[dreg:$0x4] =	wrdreg $0xC0  }
0xab: {  	_ =	task [dreg:s6], $0x5FFFF  }
0xac: {  	[dreg:$0x1] =	wrdreg $0xFFFFFFFF  }
0xad: {  	[dreg:$0x0] =	wrdreg $0x60  }
0xae: {  	[dreg:$0x2] =	wrdreg s24  }
0xaf: {  	[dreg:$0x3] =	wrdreg $0x188800  }
0xb0: {  	[dreg:$0x4] =	wrdreg $0x9  }
0xb1: {  	_ =	task.clear_ibuf [dreg:s6], $0x5FFFF;
	_ =	strace $0x90000049  }
0xb2: {  	s29 =	simm.s32 $0x9;
	_ =	strace $0x8000004B  }
0xb3: {  	_ =	swait.ge [sflag:s29], $0x1  }
0xb4: {  	[sflag:s29] =	ssyncadd.s32 $0xFFFFFFFF  }
0xb5: {  	_ =	strace $0x9000004B  }
0xb6: {  	_ =	sfence  }
0xb7: {  	s30 =	sld [smem:$0x0];
	_ =	sdelay $0x2  }
0xb8: {  	s31 =	sshll.u32 s1, $0xD;
	s1 =	sshrl.u32 s1, $0x2  }
0xb9: {  	s3 =	sand.u32 $0x4000, s31;
	s1 =	sadd.s32 s1, s30  }
0xba: {  	s0 =	sor.u32 s3, s0;
	s1 =	sshll.u32 s1, $0x11  }
0xbb: {  	s0 =	sor.u32 s1, s0  }
0xbc: {  	s0 =	sadd.s32 $0x8F2B, s0  }
0xbd: {  	[sflag:s0] =	ssyncadd.remote.s32 $0x1  }
0xbe: {  	_ =	sfence.sel $0xFFFF  }
0xbf: {  	[dreg:$0x0] =	wrdreg $0xFFFFFFFF;
	(pc) =	sbr.abs _section_cstart, $3  }
0xc0: {  	[dreg:$0x1] =	wrdreg $0xFFFFFFFF  }
0xc1: {  	_ =	task.clear_ibuf [dreg:s6], $0x2FFFF;
	_ =	strace $0x9FFFFFFF  }
0xc2: {  	(tm) =	ssettm $0x7FFFFFFF  }
0xc3: {  	_ =	shalt  }
tec
execute0_lowered:
.L_overlay_start_1:
0x0: {  	(tag) =	ssettag $0x1  }
0x1: {  	s0 =	srdreg.scid  }
0x2: {  	s4 =	stileid.u32;
	s5 =	rddreg [dreg:$0x0]  }
0x3: {  	s2 =	rddreg [dreg:$0x1];
	s3 =	simm.s32 $0x0;
	s12 =	simm.s32 $0x1  }
0x4: {  	s13 =	simm.s32 $0x7D;
	s25 =	simm.s32 $0x300;
	s26 =	simm.s32 $0xADC0  }
0x5: {  	s28 =	simm.s32 $0x380;
	s29 =	simm.s32 $0xBD60;
	s30 =	simm.s32 $0x400  }
0x6: {  	s31 =	simm.s32 $0xCD00;
	s11 =	simm.s32 $0x3;
	s14 =	simm.s32 $0x2  }
0x7: {  	s15 =	simm.s32 $0x0;
	s0 =	sand.u32 $0x1, s0;
	s7 =	smul.u32 $0x4E20, s4  }
0x8: {  	[smem:$0x7FF] =	sst s3;
	s1 =	sshll.u32 s0, $0x4;
	s6 =	smul.u32 $0x4E200, s0  }
0x9: {  	_ =	strace $0x8000004A;
	s0 =	ssub.s32 $0x2, s0;
	s1 =	sor.u32 s4, s1  }
0xa: {  	s4 =	sadd.s32 $0x2200, s5;
	s8 =	sshrl.u32 s7, $0x3;
	s9 =	sshrl.u32 s0, $0x1  }
0xb: {  	s1 =	smul.u32 $0x500, s1;
	s6 =	sadd.s32 s7, s6;
	s8 =	sadd.s32 s8, s5  }
0xc: {  	s0 =	ssub.s32 s0, s9;
	s7 =	sadd.s32 s7, s2;
	s6 =	sshrl.u32 s6, $0x3  }
0xd: {  	s8 =	sadd.s32 $0xC000, s8;
	s1 =	sadd.s32 s1, s5;
	s10 =	sadd.s32 s6, s5  }
0xe: {  	s5 =	sadd.s32 $0x33A00, s1;
	s6 =	sadd.s32 $0x29A00, s1;
	s9 =	sadd.s32 $0x15E00, s10  }
0xf: {  	s10 =	smax.u32 s0, $0x1;
	s1 =	simm.s32 $0x480;
	s0 =	simm.s32 $0xDCA0  }
.LBB2_1:
0x10: {  	[tilespmem:s3], [sflag:$0x1] =	stream.linear.gather [hbm4b:s5+s3], $0x2800, $0x38;
	[tilespmem:$0x1D6A0] =	vst v63  }
0x11: {  	s16 =	simm.s32 $0x2800  }
0x12: {  	[tilespmem:s16], [sflag:$0x1] =	stream.linear.gather [hbm4b:s6+s3], $0x2800, $0x38;
	[tilespmem:$0x1D6A0] =	vst v63  }
0x13: {  	_ =	swait.ge [sflag:s12], $0x2800  }
0x14: {  	[sflag:s12] =	ssyncset.done $0x0  }
0x15: {  	[sflag:s12] =	ssyncadd.s32 $0xFFFFD800  }
0x16: {  	_ =	swait.ge [sflag:s12], $0x2800  }
0x17: {  	[sflag:s12] =	ssyncset.done $0x0  }
0x18: {  	s21 =	simm.s32 $0x5000;
	[sflag:s12] =	ssyncadd.s32 $0xFFFFD800  }
0x19: {  	[tilespmem:s21], [sflag:$0x1] =	stream.indirect.gather [hbm4b:s4+s13], $0x20, s3, s13, $0xb8;
	[tilespmem:$0x1D6A0] =	vst v63  }
0x1a: {  	s22 =	simm.s32 $0x80;
	s17 =	simm.s32 $0x5FA0  }
0x1b: {  	[tilespmem:s17], [sflag:$0x1] =	stream.indirect.gather [hbm4b:s4+s13], $0x20, s22, s13, $0xb8;
	[tilespmem:$0x1D6A0] =	vst v63  }
0x1c: {  	s23 =	simm.s32 $0x100;
	s24 =	simm.s32 $0x6F40  }
0x1d: {  	[tilespmem:s24], [sflag:$0x1] =	stream.indirect.gather [hbm4b:s4+s13], $0x20, s23, s13, $0xb8;
	[tilespmem:$0x1D6A0] =	vst v63  }
0x1e: {  	s18 =	simm.s32 $0x180;
	s19 =	simm.s32 $0x7EE0  }
0x1f: {  	[tilespmem:s19], [sflag:$0x1] =	stream.indirect.gather [hbm4b:s4+s13], $0x20, s18, s13, $0xb8;
	[tilespmem:$0x1D6A0] =	vst v63  }
0x20: {  	s20 =	simm.s32 $0x200;
	s21 =	simm.s32 $0x8E80  }
0x21: {  	[tilespmem:s21], [sflag:$0x1] =	stream.indirect.gather [hbm4b:s4+s13], $0x20, s20, s13, $0xb8;
	[tilespmem:$0x1D6A0] =	vst v63  }
0x22: {  	s22 =	simm.s32 $0x280;
	s23 =	simm.s32 $0x9E20  }
0x23: {  	[tilespmem:s23], [sflag:$0x1] =	stream.indirect.gather [hbm4b:s4+s13], $0x20, s22, s13, $0xb8;
	[tilespmem:$0x1D6A0] =	vst v63  }
0x24: {  	_ = 	snop  }
0x25: {  	[tilespmem:s26], [sflag:$0x1] =	stream.indirect.gather [hbm4b:s4+s13], $0x20, s25, s13, $0xb8;
	[tilespmem:$0x1D6A0] =	vst v63  }
0x26: {  	s24 =	stileid.u32  }
0x27: {  	[tilespmem:s29], [sflag:$0x1] =	stream.indirect.gather [hbm4b:s4+s13], $0x20, s28, s13, $0xb8;
	[tilespmem:$0x1D6A0] =	vst v63  }
0x28: {  	s16 =	sshll.u32 s24, $0x6  }
0x29: {  	[tilespmem:s31], [sflag:$0x1] =	stream.indirect.gather [hbm4b:s4+s13], $0x20, s30, s13, $0xb8;
	[tilespmem:$0x1D6A0] =	vst v63  }
0x2a: {  	s17 =	sshrl.u32 s7, $0x3;
	s16 =	sor.u32 $0x1C03, s16  }
0x2b: {  	[tilespmem:s0], [sflag:$0x1] =	stream.indirect.gather [hbm4b:s4+s13], $0x20, s1, s13, $0xb8;
	[tilespmem:$0x1D6A0] =	vst v63  }
0x2c: {  	[spmem:s17], [sflag:s16] =	dma.local [hbm:s8], $0x9C4  }
0x2d: {  	_ =	swait.ge [sflag:s11], $0x9C4  }
0x2e: {  	[sflag:s11] =	ssyncset.done $0x0  }
0x2f: {  	[sflag:s11] =	ssyncadd.s32 $0xFFFFF63C  }
0x30: {  	s19 =	simm.s32 $0x0;
	s21 =	simm.s32 $0x0;
	[bflag:$0x0] =	sbarrier.arrive $0xFFFF  }
.LBB2_2:
0x31: {  	_ =	swait.ge [sflag:s12], $0xFA0  }
0x32: {  	[sflag:s12] =	ssyncset.done $0x0  }
0x33: {  	[sflag:s12] =	ssyncadd.s32 $0xFFFFF060  }
0x34: {  	_ =	swait.ge [sflag:s12], $0xFA0  }
0x35: {  	[sflag:s12] =	ssyncset.done $0x0  }
0x36: {  	[sflag:s12] =	ssyncadd.s32 $0xFFFFF060  }
0x37: {  	_ =	swait.ge [sflag:s12], $0xFA0  }
0x38: {  	[sflag:s12] =	ssyncset.done $0x0  }
0x39: {  	[sflag:s12] =	ssyncadd.s32 $0xFFFFF060  }
0x3a: {  	_ =	swait.ge [sflag:s12], $0xFA0  }
0x3b: {  	[sflag:s12] =	ssyncset.done $0x0  }
0x3c: {  	[sflag:s12] =	ssyncadd.s32 $0xFFFFF060  }
0x3d: {  	_ =	swait.ge [sflag:s12], $0xFA0  }
0x3e: {  	[sflag:s12] =	ssyncset.done $0x0  }
0x3f: {  	[sflag:s12] =	ssyncadd.s32 $0xFFFFF060  }
0x40: {  	_ =	swait.ge [sflag:s12], $0xFA0  }
0x41: {  	[sflag:s12] =	ssyncset.done $0x0  }
0x42: {  	[sflag:s12] =	ssyncadd.s32 $0xFFFFF060  }
0x43: {  	_ =	swait.ge [sflag:s12], $0xFA0  }
0x44: {  	[sflag:s12] =	ssyncset.done $0x0  }
0x45: {  	[sflag:s12] =	ssyncadd.s32 $0xFFFFF060  }
0x46: {  	_ =	swait.ge [sflag:s12], $0xFA0  }
0x47: {  	[sflag:s12] =	ssyncset.done $0x0  }
0x48: {  	[sflag:s12] =	ssyncadd.s32 $0xFFFFF060  }
0x49: {  	_ =	swait.ge [sflag:s12], $0xFA0  }
0x4a: {  	[sflag:s12] =	ssyncset.done $0x0  }
0x4b: {  	[sflag:s12] =	ssyncadd.s32 $0xFFFFF060  }
0x4c: {  	_ =	swait.ge [sflag:s12], $0xFA0  }
0x4d: {  	p0 =	seq.s32 s21, $0x0;
	[sflag:s12] =	ssyncset.done $0x0  }
0x4e: {  	s18 =	simm.s32 @!p0 $0x2;
	[sflag:s12] =	ssyncadd.s32 $0xFFFFF060  }
0x4f: {  	_ =	swait.ge @!p0 [sflag:s18], $0xFA0  }
0x50: {  	[sflag:s18] =	ssyncset.done @!p0 $0x0  }
0x51: {  	[sflag:s18] =	ssyncadd.s32 @!p0 $0xFFFFF060  }
0x52: {  	_ =	swait.ge @!p0 [sflag:s18], $0xFA0  }
0x53: {  	[sflag:s18] =	ssyncset.done @!p0 $0x0  }
0x54: {  	[sflag:s18] =	ssyncadd.s32 @!p0 $0xFFFFF060  }
0x55: {  	_ =	swait.ge @!p0 [sflag:s18], $0xFA0  }
0x56: {  	[sflag:s18] =	ssyncset.done @!p0 $0x0  }
0x57: {  	[sflag:s18] =	ssyncadd.s32 @!p0 $0xFFFFF060  }
0x58: {  	_ =	swait.ge @!p0 [sflag:s18], $0xFA0  }
0x59: {  	[sflag:s18] =	ssyncset.done @!p0 $0x0  }
0x5a: {  	[sflag:s18] =	ssyncadd.s32 @!p0 $0xFFFFF060  }
0x5b: {  	_ =	swait.ge @!p0 [sflag:s18], $0xFA0  }
0x5c: {  	[sflag:s18] =	ssyncset.done @!p0 $0x0  }
0x5d: {  	[sflag:s18] =	ssyncadd.s32 @!p0 $0xFFFFF060  }
0x5e: {  	_ =	swait.ge @!p0 [sflag:s18], $0xFA0  }
0x5f: {  	[sflag:s18] =	ssyncset.done @!p0 $0x0  }
0x60: {  	[sflag:s18] =	ssyncadd.s32 @!p0 $0xFFFFF060  }
0x61: {  	_ =	swait.ge @!p0 [sflag:s18], $0xFA0  }
0x62: {  	[sflag:s18] =	ssyncset.done @!p0 $0x0  }
0x63: {  	[sflag:s18] =	ssyncadd.s32 @!p0 $0xFFFFF060  }
0x64: {  	_ =	swait.ge @!p0 [sflag:s18], $0xFA0  }
0x65: {  	[sflag:s18] =	ssyncset.done @!p0 $0x0  }
0x66: {  	[sflag:s18] =	ssyncadd.s32 @!p0 $0xFFFFF060  }
0x67: {  	_ =	swait.ge @!p0 [sflag:s18], $0xFA0  }
0x68: {  	[sflag:s18] =	ssyncset.done @!p0 $0x0  }
0x69: {  	[sflag:s18] =	ssyncadd.s32 @!p0 $0xFFFFF060  }
0x6a: {  	_ =	swait.ge @!p0 [sflag:s18], $0xFA0  }
0x6b: {  	s20 =	sand.u32 $0x1, s19;
	p1 =	seq.s32 @!p0 s21, $0x8C00;
	[sflag:s18] =	ssyncset.done @!p0 $0x0  }
0x6c: {  	p1 =	por p0, !p1;
	[sflag:s18] =	ssyncadd.s32 @!p0 $0xFFFFF060;
	s18 =	simm.s32 @!p0 $0x8C00  }
0x6d: {  	s18 =	sxor.u32 @p1 $0x1, s20  }
0x6e: {  	s18 =	smul.u32 @p1 $0x27100, s18;
	_ =	sdelay $0x1  }
0x6f: {  	s22 =	sshra.s32 @p1 s21, $0x2;
	s18 =	sshrl.u32 @p1 s18, $0x2  }
0x70: {  	s24 =	sadd.s32 @p1 $0x500, s22;
	s23 =	sadd.s32 @p1 $0x5000, s18  }
0x71: {  	[tilespmem:s23], [sflag:$0x1] =	stream.indirect.gather @p1 [hbm4b:s4+s13], $0x20, s24, s13, $0xb8;
	[tilespmem:$0x1D6A0] =	vst v63  }
0x72: {  	s23 =	sadd.s32 @p1 $0x5FA0, s18;
	s24 =	sadd.s32 @p1 $0x580, s22  }
0x73: {  	[tilespmem:s23], [sflag:$0x1] =	stream.indirect.gather @p1 [hbm4b:s4+s13], $0x20, s24, s13, $0xb8;
	[tilespmem:$0x1D6A0] =	vst v63  }
0x74: {  	s23 =	sadd.s32 @p1 $0x6F40, s18;
	s24 =	sadd.s32 @p1 $0x600, s22  }
0x75: {  	[tilespmem:s23], [sflag:$0x1] =	stream.indirect.gather @p1 [hbm4b:s4+s13], $0x20, s24, s13, $0xb8;
	[tilespmem:$0x1D6A0] =	vst v63  }
0x76: {  	s23 =	sadd.s32 @p1 $0x7EE0, s18;
	s24 =	sadd.s32 @p1 $0x680, s22  }
0x77: {  	[tilespmem:s23], [sflag:$0x1] =	stream.indirect.gather @p1 [hbm4b:s4+s13], $0x20, s24, s13, $0xb8;
	[tilespmem:$0x1D6A0] =	vst v63  }
0x78: {  	s23 =	sadd.s32 @p1 $0x8E80, s18;
	s24 =	sadd.s32 @p1 $0x700, s22  }
0x79: {  	[tilespmem:s23], [sflag:$0x1] =	stream.indirect.gather @p1 [hbm4b:s4+s13], $0x20, s24, s13, $0xb8;
	[tilespmem:$0x1D6A0] =	vst v63  }
0x7a: {  	s23 =	sadd.s32 @p1 $0x9E20, s18;
	s24 =	sadd.s32 @p1 $0x780, s22  }
0x7b: {  	[tilespmem:s23], [sflag:$0x1] =	stream.indirect.gather @p1 [hbm4b:s4+s13], $0x20, s24, s13, $0xb8;
	[tilespmem:$0x1D6A0] =	vst v63  }
0x7c: {  	s23 =	sadd.s32 @p1 $0xADC0, s18;
	s24 =	sadd.s32 @p1 $0x800, s22  }
0x7d: {  	[tilespmem:s23], [sflag:$0x1] =	stream.indirect.gather @p1 [hbm4b:s4+s13], $0x20, s24, s13, $0xb8;
	[tilespmem:$0x1D6A0] =	vst v63  }
0x7e: {  	s23 =	sadd.s32 @p1 $0xBD60, s18;
	s24 =	sadd.s32 @p1 $0x880, s22  }
0x7f: {  	[tilespmem:s23], [sflag:$0x1] =	stream.indirect.gather @p1 [hbm4b:s4+s13], $0x20, s24, s13, $0xb8;
	[tilespmem:$0x1D6A0] =	vst v63  }
0x80: {  	s23 =	sadd.s32 @p1 $0xCD00, s18;
	s24 =	sadd.s32 @p1 $0x900, s22  }
0x81: {  	[tilespmem:s23], [sflag:$0x1] =	stream.indirect.gather @p1 [hbm4b:s4+s13], $0x20, s24, s13, $0xb8;
	[tilespmem:$0x1D6A0] =	vst v63  }
0x82: {  	s20 =	smul.u32 $0x27100, s20;
	s18 =	sadd.s32 @p1 $0xDCA0, s18;
	s22 =	sadd.s32 @p1 $0x980, s22  }
0x83: {  	[tilespmem:s18], [sflag:$0x1] =	stream.indirect.gather @p1 [hbm4b:s4+s13], $0x20, s22, s13, $0xb8;
	[tilespmem:$0x1D6A0] =	vst v63  }
0x84: {  	s18 =	smov.u32 @p1 s21  }
0x85: {  	s20 =	sshrl.u32 s20, $0x2;
	s18 =	sshra.s32 s18, $0x2  }
0x86: {  	s23 =	sadd.s32 $0x5000, s20;
	s24 =	sadd.s32 $0x2800, s18  }
0x87: {  	[spmem:s2] =	stream.indirect.scatter.add.f32 [tilespmem:s23], [sflag:$0x2], $0x20, s24, s13, $0xb8;
	[tilespmem:$0x1D6A0] =	vst v63  }
0x88: {  	s23 =	sadd.s32 $0x5FA0, s20;
	s24 =	sadd.s32 $0x2880, s18  }
0x89: {  	[spmem:s2] =	stream.indirect.scatter.add.f32 [tilespmem:s23], [sflag:$0x2], $0x20, s24, s13, $0xb8;
	[tilespmem:$0x1D6A0] =	vst v63  }
0x8a: {  	s23 =	sadd.s32 $0x6F40, s20;
	s24 =	sadd.s32 $0x2900, s18  }
0x8b: {  	[spmem:s2] =	stream.indirect.scatter.add.f32 [tilespmem:s23], [sflag:$0x2], $0x20, s24, s13, $0xb8;
	[tilespmem:$0x1D6A0] =	vst v63  }
0x8c: {  	s23 =	sadd.s32 $0x7EE0, s20;
	s24 =	sadd.s32 $0x2980, s18  }
0x8d: {  	[spmem:s2] =	stream.indirect.scatter.add.f32 [tilespmem:s23], [sflag:$0x2], $0x20, s24, s13, $0xb8;
	[tilespmem:$0x1D6A0] =	vst v63  }
0x8e: {  	s23 =	sadd.s32 $0x8E80, s20;
	s24 =	sadd.s32 $0x2A00, s18  }
0x8f: {  	[spmem:s2] =	stream.indirect.scatter.add.f32 [tilespmem:s23], [sflag:$0x2], $0x20, s24, s13, $0xb8;
	[tilespmem:$0x1D6A0] =	vst v63  }
0x90: {  	s23 =	sadd.s32 $0x9E20, s20;
	s24 =	sadd.s32 $0x2A80, s18  }
0x91: {  	[spmem:s2] =	stream.indirect.scatter.add.f32 [tilespmem:s23], [sflag:$0x2], $0x20, s24, s13, $0xb8;
	[tilespmem:$0x1D6A0] =	vst v63  }
0x92: {  	s21 =	sadd.s32 $0x1400, s21;
	s23 =	sadd.s32 $0xADC0, s20;
	s24 =	sadd.s32 $0x2B00, s18  }
0x93: {  	[spmem:s2] =	stream.indirect.scatter.add.f32 [tilespmem:s23], [sflag:$0x2], $0x20, s24, s13, $0xb8;
	[tilespmem:$0x1D6A0] =	vst v63  }
0x94: {  	p0 =	sne.s32 s21, $0xA000;
	s23 =	sadd.s32 $0xBD60, s20;
	s24 =	sadd.s32 $0x2B80, s18  }
0x95: {  	[spmem:s2] =	stream.indirect.scatter.add.f32 [tilespmem:s23], [sflag:$0x2], $0x20, s24, s13, $0xb8;
	[tilespmem:$0x1D6A0] =	vst v63  }
.Ltmp0:
0x96: {  	_ = 	snop;
	(pc) =	sbr.rel @p0 .LBB2_2-.Ltmp0, $4  }
0x97: {  	s23 =	sadd.s32 $0xCD00, s20;
	s24 =	sadd.s32 $0x2C00, s18  }
0x98: {  	[spmem:s2] =	stream.indirect.scatter.add.f32 [tilespmem:s23], [sflag:$0x2], $0x20, s24, s13, $0xb8;
	[tilespmem:$0x1D6A0] =	vst v63  }
0x99: {  	s19 =	sadd.s32 $0x1, s19;
	s20 =	sadd.s32 $0xDCA0, s20;
	s18 =	sadd.s32 $0x2C80, s18  }
0x9a: {  	[spmem:s2] =	stream.indirect.scatter.add.f32 [tilespmem:s20], [sflag:$0x2], $0x20, s18, s13, $0xb8;
	[tilespmem:$0x1D6A0] =	vst v63  }
0x9b: {  	_ =	swait.ge [sflag:s14], $0xFA0  }
0x9c: {  	[sflag:s14] =	ssyncset.done $0x0  }
0x9d: {  	[sflag:s14] =	ssyncadd.s32 $0xFFFFF060  }
0x9e: {  	_ =	swait.ge [sflag:s14], $0xFA0  }
0x9f: {  	[sflag:s14] =	ssyncset.done $0x0  }
0xa0: {  	[sflag:s14] =	ssyncadd.s32 $0xFFFFF060  }
0xa1: {  	_ =	swait.ge [sflag:s14], $0xFA0  }
0xa2: {  	[sflag:s14] =	ssyncset.done $0x0  }
0xa3: {  	[sflag:s14] =	ssyncadd.s32 $0xFFFFF060  }
0xa4: {  	_ =	swait.ge [sflag:s14], $0xFA0  }
0xa5: {  	[sflag:s14] =	ssyncset.done $0x0  }
0xa6: {  	[sflag:s14] =	ssyncadd.s32 $0xFFFFF060  }
0xa7: {  	_ =	swait.ge [sflag:s14], $0xFA0  }
0xa8: {  	[sflag:s14] =	ssyncset.done $0x0  }
0xa9: {  	[sflag:s14] =	ssyncadd.s32 $0xFFFFF060  }
0xaa: {  	_ =	swait.ge [sflag:s14], $0xFA0  }
0xab: {  	[sflag:s14] =	ssyncset.done $0x0  }
0xac: {  	[sflag:s14] =	ssyncadd.s32 $0xFFFFF060  }
0xad: {  	_ =	swait.ge [sflag:s14], $0xFA0  }
0xae: {  	[sflag:s14] =	ssyncset.done $0x0  }
0xaf: {  	[sflag:s14] =	ssyncadd.s32 $0xFFFFF060  }
0xb0: {  	_ =	swait.ge [sflag:s14], $0xFA0  }
0xb1: {  	[sflag:s14] =	ssyncset.done $0x0  }
0xb2: {  	[sflag:s14] =	ssyncadd.s32 $0xFFFFF060  }
0xb3: {  	_ =	swait.ge [sflag:s14], $0xFA0  }
0xb4: {  	[sflag:s14] =	ssyncset.done $0x0  }
0xb5: {  	[sflag:s14] =	ssyncadd.s32 $0xFFFFF060  }
0xb6: {  	_ =	swait.ge [sflag:s14], $0xFA0  }
0xb7: {  	s15 =	sadd.s32 $0x1, s15;
	[sflag:s14] =	ssyncset.done $0x0  }
0xb8: {  	p0 =	sne.s32 s15, s10;
	[sflag:s14] =	ssyncadd.s32 $0xFFFFF060  }
.Ltmp1:
0xb9: {  	[bflag:$0x0] =	sbarrier.arrive $0xFFFF;
	(pc) =	sbr.rel @p0 .LBB2_1-.Ltmp1, $4  }
0xba: {  	[hbm:s9], [sflag:s16] =	dma.local [spmem:s17], $0x9C4  }
0xbb: {  	_ =	swait.ge [sflag:s11], $0x9C4  }
0xbc: {  	[sflag:s11] =	ssyncset.done $0x0  }
0xbd: {  	[sflag:s11] =	ssyncadd.s32 $0xFFFFF63C  }
0xbe: {  	_ =	sfence.sel $0x180000  }
0xbf: {  	[bflag:$0x0] =	sbarrier.arrive $0xFFFF  }
0xc0: {  	_ =	strace $0x9000004A  }
0xc1: {  	s0 =	stileid.u32;
	[bflag:$0x2] =	sbarrier.arrive $0xFFFF  }
0xc2: {  	p0 =	sne.s32 s0, $0x0;
	s0 =	rddreg [dreg:$0x2]  }
0xc3: {  	s0 =	sadd.s32 @!p0 $0x100000, s0  }
0xc4: {  	[sflag:s0] =	ssyncadd.tile.s32 @!p0 $0x1;
	_ =	shalt  }
.Lfunc_end2:
_tile_overlayer_lowered:
.L_overlay_start_2:
0xc5: {  	(tag) =	ssettag $0x2  }
0xc6: {  	s0 =	rddreg [dreg:$0x0];
	s2 =	stileid.u32  }
0xc7: {  	s1 =	rddreg [dreg:$0x1];
	p0 =	sne.s32 s2, $0x0  }
0xc8: {  	s3 =	rddreg [dreg:$0x2];
	[bflag:$0x3] =	sbarrier.arrive $0xFFFF;
	s2 =	simm.s32 @!p0 $0x1C03  }
0xc9: {  	[timem:s3], [sflag:s2] =	dma.local @!p0 [hbm:s0], s1  }
0xca: {  	s0 =	simm.s32 @!p0 $0x3  }
0xcb: {  	_ =	swait.ge @!p0 [sflag:s0], s1  }
0xcc: {  	s1 =	ssub.s32 @!p0 $0x0, s1;
	[sflag:s0] =	ssyncset.done @!p0 $0x0  }
0xcd: {  	[sflag:s0] =	ssyncadd.s32 @!p0 s1  }
0xce: {  	[bflag:$0x3] =	sbarrier.arrive $0xFFFF  }
0xcf: {  	_ =	shalt  }

// kernel: kernel.15.cloned.1.call-start
scs
__scs_entry_jumppad:
0x0: {  	(pc) =	sbr.rel $0x88, $3  }
0x1: {  	(tag) =	ssettag $0x0;
	lr =	simm.s32 $0x1  }
0x2: {  	[smem:$0x3F9B] =	sst lr;
	_ =	strace $0xD0000000  }
0x3: {  	_ = 	snop  }
0x4: {  	_ = 	snop  }
0x5: {  	_ = 	snop  }
0x6: {  	_ = 	snop  }
0x7: {  	_ = 	snop  }
__scs_overlays_trampoline_lowered:
0x8: {  	[smem:$0x3FAA] =	sst s0  }
0x9: {  	[smem:$0x3FAB] =	sst s1  }
0xa: {  	[smem:$0x3FAC] =	sst s2  }
0xb: {  	[smem:$0x3FAD] =	sst s3  }
0xc: {  	[smem:$0x3FAE] =	sst s4  }
0xd: {  	[smem:$0x3FAF] =	sst s5  }
0xe: {  	[smem:$0x3FB0] =	sst s6  }
0xf: {  	[smem:$0x3FB1] =	sst s7  }
0x10: {  	[smem:$0x3FB2] =	sst s8  }
0x11: {  	[smem:$0x3FB3] =	sst s9;
	s0 =	simm.s32 @!p0 $0x0  }
0x12: {  	s1 =	sld [smem:$0x3F99];
	s0 =	simm.s32 @p0 $0x1  }
0x13: {  	[smem:$0x3FB4] =	sst s0;
	s0 =	simm.s32 @!p1 $0x0  }
0x14: {  	s2 =	sld [smem:$0x3F98];
	s0 =	simm.s32 @p1 $0x1  }
0x15: {  	[smem:$0x3FB5] =	sst s0;
	s0 =	simm.s32 @!p2 $0x0  }
0x16: {  	s3 =	sld [smem:$0x3FDB];
	s0 =	simm.s32 @p2 $0x1  }
0x17: {  	s4 =	simm.s32 $0x1BF5;
	[smem:$0x3FB7] =	sst s0  }
0x18: {  	s0 =	sld [smem:$0x3F9A];
	_ =	swait.ge [sflag:s4], $0x0  }
0x19: {  	s7 =	sld [smem:$0x3F9B]  }
0x1a: {  	s8 =	sadd.s32 $0xFFFFE003, lr  }
0x1b: {  	s9 =	sadd.s32 $0xFFFFFEF7, lr;
	s5 =	simm.s32 $0xFFFFFFFF;
	p2 =	slt.u32 s8, $0xFFFFF086  }
0x1c: {  	p1 =	slt.u32 s9, $0xF7A;
	s5 =	simm.s32 @!p2 $0x0  }
0x1d: {  	s5 =	simm.s32 @p1 $0x1;
	p0 =	seq.s32 s7, s2  }
0x1e: {  	s7 =	smul.u32 @!p0 $0xF7A, s2;
	p2 =	seq.s32 @!p0 s5, $0x0  }
0x1f: {  	s9 =	smul.u32 $0xF7A, s1;
	s8 =	simm.s32 @!p0 $0x1BF5;
	p2 =	por !p2, p0  }
0x20: {  	[sflag:s8] =	ssyncset.s32 @!p0 $0xFFFFF086;
	s6 =	sadd.s32 @!p0 s3, s7;
	s7 =	simm.s32 @!p0 $0x108  }
0x21: {  	s3 =	sadd.s32 s3, s9;
	s6 =	sadd.s32 @!p0 $0x88, s6;
	s7 =	simm.s32 @p2 $0x1082  }
0x22: {  	[simem:s7], [sflag:s8] =	dma.local @!p0 [hbm:s6], $0xF7A  }
0x23: {  	s9 =	sor.u32 $0xD0000000, s2;
	s6 =	simm.s32 $0x108;
	_ =	swait.ge @!p0 [sflag:s8], $0x0  }
0x24: {  	s3 =	sadd.s32 $0x88, s3;
	s6 =	simm.s32 @!p1 $0x1082;
	[sflag:s4] =	ssyncset.s32 $0xFFFFF086  }
0x25: {  	[simem:s6], [sflag:s4] =	dma.local [hbm:s3], $0xF7A  }
0x26: {  	[smem:$0x3F9B] =	sst s1;
	(tag) =	ssettag s2;
	_ =	strace s9  }
0x27: {  	s1 =	sld [smem:$0x3FAB]  }
0x28: {  	s2 =	sld [smem:$0x3FAC]  }
0x29: {  	s4 =	sld [smem:$0x3FAE]  }
0x2a: {  	p0 =	seq.s32 s5, $0x0;
	s5 =	sld [smem:$0x3FAF]  }
0x2b: {  	s6 =	sld [smem:$0x3FB0]  }
0x2c: {  	s7 =	sld [smem:$0x3FB1]  }
0x2d: {  	s3 =	simm.s32 $0x108;
	s8 =	sld [smem:$0x3FB2]  }
0x2e: {  	s3 =	simm.s32 @!p0 $0x1082;
	s9 =	sld [smem:$0x3FB3]  }
0x2f: {  	lr =	sadd.s32 s0, s3;
	s0 =	sld [smem:$0x3FAA]  }
0x30: {  	s3 =	sld [smem:$0x3FAD]  }
0x31: {  	[smem:$0x3FB6] =	sst s10  }
0x32: {  	s10 =	sld [smem:$0x3FB4];
	_ =	sdelay $0x3  }
0x33: {  	p0 =	seq.s32 s10, $0x1;
	s10 =	sld [smem:$0x3FB6];
	_ =	sdelay $0x3  }
0x34: {  	[smem:$0x3FB6] =	sst s10  }
0x35: {  	s10 =	sld [smem:$0x3FB5];
	_ =	sdelay $0x3  }
0x36: {  	p1 =	seq.s32 s10, $0x1;
	s10 =	sld [smem:$0x3FB6];
	_ =	sdelay $0x3  }
0x37: {  	[smem:$0x3FB6] =	sst s10  }
0x38: {  	s10 =	sld [smem:$0x3FB7]  }
0x39: {  	_ = 	snop;
	(pc) =	sbr.ind lr, $3  }
0x3a: {  	_ = 	snop  }
0x3b: {  	_ = 	snop  }
0x3c: {  	p2 =	seq.s32 s10, $0x1;
	s10 =	sld [smem:$0x3FB6]  }
0x3d: {  	_ =	shalt  }
0x3e: {  	_ =	shalt  }
0x3f: {  	_ =	shalt  }
0x40: {  	_ =	shalt  }
0x41: {  	_ =	shalt  }
0x42: {  	_ =	shalt  }
0x43: {  	_ =	shalt  }
0x44: {  	_ =	shalt  }
0x45: {  	_ =	shalt  }
0x46: {  	_ =	shalt  }
0x47: {  	_ =	shalt  }
0x48: {  	_ =	shalt  }
0x49: {  	_ =	shalt  }
0x4a: {  	_ =	shalt  }
0x4b: {  	_ =	shalt  }
0x4c: {  	_ =	shalt  }
0x4d: {  	_ =	shalt  }
0x4e: {  	_ =	shalt  }
0x4f: {  	_ =	shalt  }
0x50: {  	_ =	shalt  }
0x51: {  	_ =	shalt  }
0x52: {  	_ =	shalt  }
0x53: {  	_ =	shalt  }
0x54: {  	_ =	shalt  }
0x55: {  	_ =	shalt  }
0x56: {  	_ =	shalt  }
0x57: {  	_ =	shalt  }
0x58: {  	_ =	shalt  }
0x59: {  	_ =	shalt  }
0x5a: {  	_ =	shalt  }
0x5b: {  	_ =	shalt  }
0x5c: {  	_ =	shalt  }
0x5d: {  	_ =	shalt  }
0x5e: {  	_ =	shalt  }
0x5f: {  	_ =	shalt  }
0x60: {  	_ =	shalt  }
0x61: {  	_ =	shalt  }
0x62: {  	_ =	shalt  }
0x63: {  	_ =	shalt  }
0x64: {  	_ =	shalt  }
0x65: {  	_ =	shalt  }
0x66: {  	_ =	shalt  }
0x67: {  	_ =	shalt  }
0x68: {  	_ =	shalt  }
0x69: {  	_ =	shalt  }
0x6a: {  	_ =	shalt  }
0x6b: {  	_ =	shalt  }
0x6c: {  	_ =	shalt  }
0x6d: {  	_ =	shalt  }
0x6e: {  	_ =	shalt  }
0x6f: {  	_ =	shalt  }
0x70: {  	_ =	shalt  }
0x71: {  	_ =	shalt  }
0x72: {  	_ =	shalt  }
0x73: {  	_ =	shalt  }
0x74: {  	_ =	shalt  }
0x75: {  	_ =	shalt  }
0x76: {  	_ =	shalt  }
0x77: {  	_ =	shalt  }
0x78: {  	_ =	shalt  }
0x79: {  	_ =	shalt  }
0x7a: {  	_ =	shalt  }
0x7b: {  	_ =	shalt  }
0x7c: {  	_ =	shalt  }
0x7d: {  	_ =	shalt  }
0x7e: {  	_ =	shalt  }
0x7f: {  	_ =	shalt  }
0x80: {  	_ =	shalt  }
0x81: {  	_ =	shalt  }
0x82: {  	_ =	shalt  }
0x83: {  	_ =	shalt  }
0x84: {  	_ =	shalt  }
0x85: {  	_ =	shalt  }
0x86: {  	_ =	shalt  }
0x87: {  	_ =	shalt  }
.Lfunc_end0:
.L_simem_size_0:
called_computation.2_lowered:
.L_overlay_start_0:
0x88: {  	s2 =	sld [smem:$0x3FD9]  }
0x89: {  	s3 =	sld [smem:$0x3FFE];
	_ =	sdelay $0x1  }
0x8a: {  	s1 =	srdreg.scid  }
0x8b: {  	s0 =	sand.u32 $0x1, s1  }
0x8c: {  	s17 =	sshll.u32 s0, $0xA;
	s2 =	sadd.s32 s3, s2  }
0x8d: {  	s2 =	sadd.s32 s2, s17  }
0x8e: {  	[smem:$0x3FC2] =	sst s2  }
0x8f: {  	_ = 	snop  }
0x90: {  	s2 =	sld [smem:$0x3FD0];
	(tm) =	ssettm $0x1  }
0x91: {  	s18 =	sld [smem:$0x3FFB];
	_ =	sdelay $0x3  }
0x92: {  	_ =	strace s18  }
0x93: {  	s3 =	sld [smem:$0x3FFC];
	_ =	sdelay $0x3  }
0x94: {  	_ =	strace s3  }
0x95: {  	s3 =	sld [smem:$0x3FFD];
	_ =	sdelay $0x3  }
0x96: {  	_ =	strace s3  }
0x97: {  	_ =	strace $0x8FFFFFFF  }
0x98: {  	s19 =	sld [smem:$0x3FDB];
	_ =	sdelay $0x1  }
0x99: {  	s4 =	simm.s32 $_scs_section_size  }
0x9a: {  	s5 =	simm.s32 $_size__tile_overlayer_lowered;
	s6 =	simm.s32 $_tile_overlayer_lowered  }
0x9b: {  	s22 =	simm.s32 $0x1BFF;
	s21 =	sshll.u32 s6, $0x1;
	s3 =	sadd.s32 s4, s19  }
0x9c: {  	s7 =	simm.s32 $0x0;
	s20 =	sshll.u32 s5, $0x1;
	s5 =	sadd.s32 s21, s3  }
0x9d: {  	[timem:s7], [sflag:s22] =	dma.local [hbm:s5], s20  }
0x9e: {  	_ =	swait.ge [sflag:s22], s20  }
0x9f: {  	s4 =	ssub.s32 $0x0, s20;
	[sflag:s22] =	ssyncset.done $0x0  }
0xa0: {  	[sflag:s22] =	ssyncadd.s32 s4;
	_ =	sdelay $0x1  }
0xa1: {  	s23 =	simm.s32 $0x1B8B  }
0xa2: {  	_ =	swait.ge [sflag:s23], $0x1  }
0xa3: {  	[sflag:s23] =	ssyncset.done $0x0  }
0xa4: {  	s25 =	simm.s32 $0x1B8E;
	s24 =	sld [smem:$0x3FFE];
	[sflag:s23] =	ssyncadd.s32 $0xFFFFFFFF  }
0xa5: {  	s26 =	simm.s32 $execute0_lowered;
	[smem:$0x3FD2] =	sst s25  }
0xa6: {  	s5 =	sshll.u32 s26, $0x1;
	_ =	strace $0x8000004C;
	[dreg:$0x1] =	wrdreg $0xFFFFFFFF  }
0xa7: {  	s28 =	simm.s32 $_size_execute0_lowered;
	s3 =	sadd.s32 s3, s5;
	[dreg:$0x0] =	wrdreg $0x0  }
0xa8: {  	s5 =	sshll.u32 s28, $0x1;
	[dreg:$0x2] =	wrdreg s3  }
0xa9: {  	[dreg:$0x3] =	wrdreg s5  }
0xaa: {  	[dreg:$0x4] =	wrdreg $0xC0  }
0xab: {  	_ =	task [dreg:s7], $0x5FFFF  }
0xac: {  	[dreg:$0x1] =	wrdreg $0xFFFFFFFF  }
0xad: {  	[dreg:$0x0] =	wrdreg $0x60  }
0xae: {  	[dreg:$0x2] =	wrdreg s2  }
0xaf: {  	[dreg:$0x3] =	wrdreg s24  }
0xb0: {  	[dreg:$0x4] =	wrdreg $0xEC400  }
0xb1: {  	[dreg:$0x5] =	wrdreg $0x9  }
0xb2: {  	_ =	task.clear_ibuf [dreg:s7], $0x6FFFF;
	_ =	strace $0x9000004C  }
0xb3: {  	s29 =	simm.s32 $0x9;
	_ =	strace $0x8000004E  }
0xb4: {  	_ =	swait.ge [sflag:s29], $0x1  }
0xb5: {  	[sflag:s29] =	ssyncadd.s32 $0xFFFFFFFF  }
0xb6: {  	_ =	strace $0x9000004E  }
0xb7: {  	_ =	sfence  }
0xb8: {  	s30 =	sld [smem:$0x0];
	_ =	sdelay $0x2  }
0xb9: {  	s31 =	sshll.u32 s1, $0xD;
	s1 =	sshrl.u32 s1, $0x2  }
0xba: {  	s3 =	sand.u32 $0x4000, s31;
	s1 =	sadd.s32 s1, s30  }
0xbb: {  	s0 =	sor.u32 s3, s0;
	s1 =	sshll.u32 s1, $0x11  }
0xbc: {  	s0 =	sor.u32 s1, s0  }
0xbd: {  	s0 =	sadd.s32 $0x8F2B, s0  }
0xbe: {  	[sflag:s0] =	ssyncadd.remote.s32 $0x1  }
0xbf: {  	_ =	sfence.sel $0xFFFF  }
0xc0: {  	[dreg:$0x0] =	wrdreg $0xFFFFFFFF;
	(pc) =	sbr.abs _section_cstart, $3  }
0xc1: {  	[dreg:$0x1] =	wrdreg $0xFFFFFFFF  }
0xc2: {  	_ =	task.clear_ibuf [dreg:s7], $0x2FFFF;
	_ =	strace $0x9FFFFFFF  }
0xc3: {  	(tm) =	ssettm $0x7FFFFFFF  }
tec
execute0_lowered:
.L_overlay_start_1:
0x0: {  	(tag) =	ssettag $0x1  }
0x1: {  	s1 =	rddreg [dreg:$0x0]  }
0x2: {  	s0 =	srdreg.scid;
	s5 =	rddreg [dreg:$0x1]  }
0x3: {  	s6 =	stileid.u32;
	s3 =	rddreg [dreg:$0x2];
	s4 =	simm.s32 $0x0  }
0x4: {  	s12 =	simm.s32 $0x1;
	s13 =	simm.s32 $0x7D;
	s25 =	simm.s32 $0x300  }
0x5: {  	s28 =	simm.s32 $0x380;
	s29 =	simm.s32 $0x86B0;
	s30 =	simm.s32 $0x400  }
0x6: {  	s31 =	simm.s32 $0x8E80;
	s11 =	simm.s32 $0x3;
	s14 =	simm.s32 $0x2  }
0x7: {  	s15 =	simm.s32 $0x0;
	s0 =	sand.u32 $0x1, s0;
	s7 =	smul.u32 $0x2710, s6  }
0x8: {  	[smem:$0x7FF] =	sst s4;
	s2 =	sshll.u32 s0, $0x4;
	s26 =	smul.u32 $0x27100, s0  }
0x9: {  	_ =	strace $0x8000004D;
	s0 =	ssub.s32 $0x2, s0;
	s2 =	sor.u32 s6, s2  }
0xa: {  	s8 =	sshrl.u32 s7, $0x3;
	s9 =	sshrl.u32 s0, $0x1;
	s2 =	smul.u32 $0x500, s2  }
0xb: {  	s6 =	sadd.s32 s7, s26;
	s8 =	sadd.s32 s8, s5;
	s0 =	ssub.s32 s0, s9  }
0xc: {  	s7 =	sadd.s32 s7, s3;
	s26 =	simm.s32 $0x7EE0;
	s6 =	sshrl.u32 s6, $0x3  }
0xd: {  	s8 =	sadd.s32 $0x2200, s8;
	s2 =	sadd.s32 s2, s5;
	s10 =	sadd.s32 s6, s5  }
0xe: {  	s5 =	sadd.s32 $0x33A00, s2;
	s6 =	sadd.s32 $0x29A00, s2;
	s9 =	sadd.s32 $0x7200, s10  }
0xf: {  	s10 =	smax.u32 s0, $0x1;
	s2 =	simm.s32 $0x480;
	s0 =	simm.s32 $0x9650  }
.LBB2_1:
0x10: {  	[tilespmem:s4], [sflag:$0x1] =	stream.linear.gather [hbm4b:s5+s4], $0x2800, $0x38;
	[tilespmem:$0x11350] =	vst v63  }
0x11: {  	s16 =	simm.s32 $0x2800  }
0x12: {  	[tilespmem:s16], [sflag:$0x1] =	stream.linear.gather [hbm4b:s6+s4], $0x2800, $0x38;
	[tilespmem:$0x11350] =	vst v63  }
0x13: {  	_ =	swait.ge [sflag:s12], $0x2800  }
0x14: {  	[sflag:s12] =	ssyncset.done $0x0  }
0x15: {  	[sflag:s12] =	ssyncadd.s32 $0xFFFFD800  }
0x16: {  	_ =	swait.ge [sflag:s12], $0x2800  }
0x17: {  	[sflag:s12] =	ssyncset.done $0x0  }
0x18: {  	s21 =	simm.s32 $0x5000;
	[sflag:s12] =	ssyncadd.s32 $0xFFFFD800  }
0x19: {  	[tilespmem:s21], [sflag:$0x1] =	stream.indirect.gather [hbm4b:s1+s13], $0x10, s4, s13, $0xb8;
	[tilespmem:$0x11350] =	vst v63  }
0x1a: {  	s22 =	simm.s32 $0x80;
	s17 =	simm.s32 $0x57D0  }
0x1b: {  	[tilespmem:s17], [sflag:$0x1] =	stream.indirect.gather [hbm4b:s1+s13], $0x10, s22, s13, $0xb8;
	[tilespmem:$0x11350] =	vst v63  }
0x1c: {  	s23 =	simm.s32 $0x100;
	s24 =	simm.s32 $0x5FA0  }
0x1d: {  	[tilespmem:s24], [sflag:$0x1] =	stream.indirect.gather [hbm4b:s1+s13], $0x10, s23, s13, $0xb8;
	[tilespmem:$0x11350] =	vst v63  }
0x1e: {  	s18 =	simm.s32 $0x180;
	s19 =	simm.s32 $0x6770  }
0x1f: {  	[tilespmem:s19], [sflag:$0x1] =	stream.indirect.gather [hbm4b:s1+s13], $0x10, s18, s13, $0xb8;
	[tilespmem:$0x11350] =	vst v63  }
0x20: {  	s20 =	simm.s32 $0x200;
	s21 =	simm.s32 $0x6F40  }
0x21: {  	[tilespmem:s21], [sflag:$0x1] =	stream.indirect.gather [hbm4b:s1+s13], $0x10, s20, s13, $0xb8;
	[tilespmem:$0x11350] =	vst v63  }
0x22: {  	s22 =	simm.s32 $0x280;
	s23 =	simm.s32 $0x7710  }
0x23: {  	[tilespmem:s23], [sflag:$0x1] =	stream.indirect.gather [hbm4b:s1+s13], $0x10, s22, s13, $0xb8;
	[tilespmem:$0x11350] =	vst v63  }
0x24: {  	_ = 	snop  }
0x25: {  	[tilespmem:s26], [sflag:$0x1] =	stream.indirect.gather [hbm4b:s1+s13], $0x10, s25, s13, $0xb8;
	[tilespmem:$0x11350] =	vst v63  }
0x26: {  	s24 =	stileid.u32  }
0x27: {  	[tilespmem:s29], [sflag:$0x1] =	stream.indirect.gather [hbm4b:s1+s13], $0x10, s28, s13, $0xb8;
	[tilespmem:$0x11350] =	vst v63  }
0x28: {  	s16 =	sshll.u32 s24, $0x6  }
0x29: {  	[tilespmem:s31], [sflag:$0x1] =	stream.indirect.gather [hbm4b:s1+s13], $0x10, s30, s13, $0xb8;
	[tilespmem:$0x11350] =	vst v63  }
0x2a: {  	s17 =	sshrl.u32 s7, $0x3;
	s16 =	sor.u32 $0x1C03, s16  }
0x2b: {  	[tilespmem:s0], [sflag:$0x1] =	stream.indirect.gather [hbm4b:s1+s13], $0x10, s2, s13, $0xb8;
	[tilespmem:$0x11350] =	vst v63  }
0x2c: {  	[spmem:s17], [sflag:s16] =	dma.local [hbm:s8], $0x4E2  }
0x2d: {  	_ =	swait.ge [sflag:s11], $0x4E2  }
0x2e: {  	[sflag:s11] =	ssyncset.done $0x0  }
0x2f: {  	[sflag:s11] =	ssyncadd.s32 $0xFFFFFB1E  }
0x30: {  	s19 =	simm.s32 $0x0;
	s21 =	simm.s32 $0x0;
	[bflag:$0x0] =	sbarrier.arrive $0xFFFF  }
.LBB2_2:
0x31: {  	_ =	swait.ge [sflag:s12], $0x7D0  }
0x32: {  	[sflag:s12] =	ssyncset.done $0x0  }
0x33: {  	[sflag:s12] =	ssyncadd.s32 $0xFFFFF830  }
0x34: {  	_ =	swait.ge [sflag:s12], $0x7D0  }
0x35: {  	[sflag:s12] =	ssyncset.done $0x0  }
0x36: {  	[sflag:s12] =	ssyncadd.s32 $0xFFFFF830  }
0x37: {  	_ =	swait.ge [sflag:s12], $0x7D0  }
0x38: {  	[sflag:s12] =	ssyncset.done $0x0  }
0x39: {  	[sflag:s12] =	ssyncadd.s32 $0xFFFFF830  }
0x3a: {  	_ =	swait.ge [sflag:s12], $0x7D0  }
0x3b: {  	[sflag:s12] =	ssyncset.done $0x0  }
0x3c: {  	[sflag:s12] =	ssyncadd.s32 $0xFFFFF830  }
0x3d: {  	_ =	swait.ge [sflag:s12], $0x7D0  }
0x3e: {  	[sflag:s12] =	ssyncset.done $0x0  }
0x3f: {  	[sflag:s12] =	ssyncadd.s32 $0xFFFFF830  }
0x40: {  	_ =	swait.ge [sflag:s12], $0x7D0  }
0x41: {  	[sflag:s12] =	ssyncset.done $0x0  }
0x42: {  	[sflag:s12] =	ssyncadd.s32 $0xFFFFF830  }
0x43: {  	_ =	swait.ge [sflag:s12], $0x7D0  }
0x44: {  	[sflag:s12] =	ssyncset.done $0x0  }
0x45: {  	[sflag:s12] =	ssyncadd.s32 $0xFFFFF830  }
0x46: {  	_ =	swait.ge [sflag:s12], $0x7D0  }
0x47: {  	[sflag:s12] =	ssyncset.done $0x0  }
0x48: {  	[sflag:s12] =	ssyncadd.s32 $0xFFFFF830  }
0x49: {  	_ =	swait.ge [sflag:s12], $0x7D0  }
0x4a: {  	[sflag:s12] =	ssyncset.done $0x0  }
0x4b: {  	[sflag:s12] =	ssyncadd.s32 $0xFFFFF830  }
0x4c: {  	_ =	swait.ge [sflag:s12], $0x7D0  }
0x4d: {  	p0 =	seq.s32 s21, $0x0;
	[sflag:s12] =	ssyncset.done $0x0  }
0x4e: {  	s18 =	simm.s32 @!p0 $0x2;
	[sflag:s12] =	ssyncadd.s32 $0xFFFFF830  }
0x4f: {  	_ =	swait.ge @!p0 [sflag:s18], $0x7D0  }
0x50: {  	[sflag:s18] =	ssyncset.done @!p0 $0x0  }
0x51: {  	[sflag:s18] =	ssyncadd.s32 @!p0 $0xFFFFF830  }
0x52: {  	_ =	swait.ge @!p0 [sflag:s18], $0x7D0  }
0x53: {  	[sflag:s18] =	ssyncset.done @!p0 $0x0  }
0x54: {  	[sflag:s18] =	ssyncadd.s32 @!p0 $0xFFFFF830  }
0x55: {  	_ =	swait.ge @!p0 [sflag:s18], $0x7D0  }
0x56: {  	[sflag:s18] =	ssyncset.done @!p0 $0x0  }
0x57: {  	[sflag:s18] =	ssyncadd.s32 @!p0 $0xFFFFF830  }
0x58: {  	_ =	swait.ge @!p0 [sflag:s18], $0x7D0  }
0x59: {  	[sflag:s18] =	ssyncset.done @!p0 $0x0  }
0x5a: {  	[sflag:s18] =	ssyncadd.s32 @!p0 $0xFFFFF830  }
0x5b: {  	_ =	swait.ge @!p0 [sflag:s18], $0x7D0  }
0x5c: {  	[sflag:s18] =	ssyncset.done @!p0 $0x0  }
0x5d: {  	[sflag:s18] =	ssyncadd.s32 @!p0 $0xFFFFF830  }
0x5e: {  	_ =	swait.ge @!p0 [sflag:s18], $0x7D0  }
0x5f: {  	[sflag:s18] =	ssyncset.done @!p0 $0x0  }
0x60: {  	[sflag:s18] =	ssyncadd.s32 @!p0 $0xFFFFF830  }
0x61: {  	_ =	swait.ge @!p0 [sflag:s18], $0x7D0  }
0x62: {  	[sflag:s18] =	ssyncset.done @!p0 $0x0  }
0x63: {  	[sflag:s18] =	ssyncadd.s32 @!p0 $0xFFFFF830  }
0x64: {  	_ =	swait.ge @!p0 [sflag:s18], $0x7D0  }
0x65: {  	[sflag:s18] =	ssyncset.done @!p0 $0x0  }
0x66: {  	[sflag:s18] =	ssyncadd.s32 @!p0 $0xFFFFF830  }
0x67: {  	_ =	swait.ge @!p0 [sflag:s18], $0x7D0  }
0x68: {  	[sflag:s18] =	ssyncset.done @!p0 $0x0  }
0x69: {  	[sflag:s18] =	ssyncadd.s32 @!p0 $0xFFFFF830  }
0x6a: {  	_ =	swait.ge @!p0 [sflag:s18], $0x7D0  }
0x6b: {  	s20 =	sand.u32 $0x1, s19;
	p1 =	seq.s32 @!p0 s21, $0x8C00;
	[sflag:s18] =	ssyncset.done @!p0 $0x0  }
0x6c: {  	p1 =	por p0, !p1;
	[sflag:s18] =	ssyncadd.s32 @!p0 $0xFFFFF830;
	s18 =	simm.s32 @!p0 $0x8C00  }
0x6d: {  	s18 =	sxor.u32 @p1 $0x1, s20  }
0x6e: {  	s18 =	smul.u32 @p1 $0x13880, s18;
	_ =	sdelay $0x1  }
0x6f: {  	s22 =	sshra.s32 @p1 s21, $0x2;
	s18 =	sshrl.u32 @p1 s18, $0x2  }
0x70: {  	s24 =	sadd.s32 @p1 $0x500, s22;
	s23 =	sadd.s32 @p1 $0x5000, s18  }
0x71: {  	[tilespmem:s23], [sflag:$0x1] =	stream.indirect.gather @p1 [hbm4b:s1+s13], $0x10, s24, s13, $0xb8;
	[tilespmem:$0x11350] =	vst v63  }
0x72: {  	s23 =	sadd.s32 @p1 $0x57D0, s18;
	s24 =	sadd.s32 @p1 $0x580, s22  }
0x73: {  	[tilespmem:s23], [sflag:$0x1] =	stream.indirect.gather @p1 [hbm4b:s1+s13], $0x10, s24, s13, $0xb8;
	[tilespmem:$0x11350] =	vst v63  }
0x74: {  	s23 =	sadd.s32 @p1 $0x5FA0, s18;
	s24 =	sadd.s32 @p1 $0x600, s22  }
0x75: {  	[tilespmem:s23], [sflag:$0x1] =	stream.indirect.gather @p1 [hbm4b:s1+s13], $0x10, s24, s13, $0xb8;
	[tilespmem:$0x11350] =	vst v63  }
0x76: {  	s23 =	sadd.s32 @p1 $0x6770, s18;
	s24 =	sadd.s32 @p1 $0x680, s22  }
0x77: {  	[tilespmem:s23], [sflag:$0x1] =	stream.indirect.gather @p1 [hbm4b:s1+s13], $0x10, s24, s13, $0xb8;
	[tilespmem:$0x11350] =	vst v63  }
0x78: {  	s23 =	sadd.s32 @p1 $0x6F40, s18;
	s24 =	sadd.s32 @p1 $0x700, s22  }
0x79: {  	[tilespmem:s23], [sflag:$0x1] =	stream.indirect.gather @p1 [hbm4b:s1+s13], $0x10, s24, s13, $0xb8;
	[tilespmem:$0x11350] =	vst v63  }
0x7a: {  	s23 =	sadd.s32 @p1 $0x7710, s18;
	s24 =	sadd.s32 @p1 $0x780, s22  }
0x7b: {  	[tilespmem:s23], [sflag:$0x1] =	stream.indirect.gather @p1 [hbm4b:s1+s13], $0x10, s24, s13, $0xb8;
	[tilespmem:$0x11350] =	vst v63  }
0x7c: {  	s23 =	sadd.s32 @p1 $0x7EE0, s18;
	s24 =	sadd.s32 @p1 $0x800, s22  }
0x7d: {  	[tilespmem:s23], [sflag:$0x1] =	stream.indirect.gather @p1 [hbm4b:s1+s13], $0x10, s24, s13, $0xb8;
	[tilespmem:$0x11350] =	vst v63  }
0x7e: {  	s23 =	sadd.s32 @p1 $0x86B0, s18;
	s24 =	sadd.s32 @p1 $0x880, s22  }
0x7f: {  	[tilespmem:s23], [sflag:$0x1] =	stream.indirect.gather @p1 [hbm4b:s1+s13], $0x10, s24, s13, $0xb8;
	[tilespmem:$0x11350] =	vst v63  }
0x80: {  	s23 =	sadd.s32 @p1 $0x8E80, s18;
	s24 =	sadd.s32 @p1 $0x900, s22  }
0x81: {  	[tilespmem:s23], [sflag:$0x1] =	stream.indirect.gather @p1 [hbm4b:s1+s13], $0x10, s24, s13, $0xb8;
	[tilespmem:$0x11350] =	vst v63  }
0x82: {  	s20 =	smul.u32 $0x13880, s20;
	s18 =	sadd.s32 @p1 $0x9650, s18;
	s22 =	sadd.s32 @p1 $0x980, s22  }
0x83: {  	[tilespmem:s18], [sflag:$0x1] =	stream.indirect.gather @p1 [hbm4b:s1+s13], $0x10, s22, s13, $0xb8;
	[tilespmem:$0x11350] =	vst v63  }
0x84: {  	s18 =	smov.u32 @p1 s21  }
0x85: {  	s20 =	sshrl.u32 s20, $0x2;
	s18 =	sshra.s32 s18, $0x2  }
0x86: {  	s23 =	sadd.s32 $0x5000, s20;
	s24 =	sadd.s32 $0x2800, s18  }
0x87: {  	[spmem:s3] =	stream.indirect.scatter.add.f32 [tilespmem:s23], [sflag:$0x2], $0x10, s24, s13, $0xb8;
	[tilespmem:$0x11350] =	vst v63  }
0x88: {  	s23 =	sadd.s32 $0x57D0, s20;
	s24 =	sadd.s32 $0x2880, s18  }
0x89: {  	[spmem:s3] =	stream.indirect.scatter.add.f32 [tilespmem:s23], [sflag:$0x2], $0x10, s24, s13, $0xb8;
	[tilespmem:$0x11350] =	vst v63  }
0x8a: {  	s23 =	sadd.s32 $0x5FA0, s20;
	s24 =	sadd.s32 $0x2900, s18  }
0x8b: {  	[spmem:s3] =	stream.indirect.scatter.add.f32 [tilespmem:s23], [sflag:$0x2], $0x10, s24, s13, $0xb8;
	[tilespmem:$0x11350] =	vst v63  }
0x8c: {  	s23 =	sadd.s32 $0x6770, s20;
	s24 =	sadd.s32 $0x2980, s18  }
0x8d: {  	[spmem:s3] =	stream.indirect.scatter.add.f32 [tilespmem:s23], [sflag:$0x2], $0x10, s24, s13, $0xb8;
	[tilespmem:$0x11350] =	vst v63  }
0x8e: {  	s23 =	sadd.s32 $0x6F40, s20;
	s24 =	sadd.s32 $0x2A00, s18  }
0x8f: {  	[spmem:s3] =	stream.indirect.scatter.add.f32 [tilespmem:s23], [sflag:$0x2], $0x10, s24, s13, $0xb8;
	[tilespmem:$0x11350] =	vst v63  }
0x90: {  	s23 =	sadd.s32 $0x7710, s20;
	s24 =	sadd.s32 $0x2A80, s18  }
0x91: {  	[spmem:s3] =	stream.indirect.scatter.add.f32 [tilespmem:s23], [sflag:$0x2], $0x10, s24, s13, $0xb8;
	[tilespmem:$0x11350] =	vst v63  }
0x92: {  	s21 =	sadd.s32 $0x1400, s21;
	s23 =	sadd.s32 $0x7EE0, s20;
	s24 =	sadd.s32 $0x2B00, s18  }
0x93: {  	[spmem:s3] =	stream.indirect.scatter.add.f32 [tilespmem:s23], [sflag:$0x2], $0x10, s24, s13, $0xb8;
	[tilespmem:$0x11350] =	vst v63  }
0x94: {  	p0 =	sne.s32 s21, $0xA000;
	s23 =	sadd.s32 $0x86B0, s20;
	s24 =	sadd.s32 $0x2B80, s18  }
0x95: {  	[spmem:s3] =	stream.indirect.scatter.add.f32 [tilespmem:s23], [sflag:$0x2], $0x10, s24, s13, $0xb8;
	[tilespmem:$0x11350] =	vst v63  }
.Ltmp0:
0x96: {  	_ = 	snop;
	(pc) =	sbr.rel @p0 .LBB2_2-.Ltmp0, $4  }
0x97: {  	s23 =	sadd.s32 $0x8E80, s20;
	s24 =	sadd.s32 $0x2C00, s18  }
0x98: {  	[spmem:s3] =	stream.indirect.scatter.add.f32 [tilespmem:s23], [sflag:$0x2], $0x10, s24, s13, $0xb8;
	[tilespmem:$0x11350] =	vst v63  }
0x99: {  	s19 =	sadd.s32 $0x1, s19;
	s20 =	sadd.s32 $0x9650, s20;
	s18 =	sadd.s32 $0x2C80, s18  }
0x9a: {  	[spmem:s3] =	stream.indirect.scatter.add.f32 [tilespmem:s20], [sflag:$0x2], $0x10, s18, s13, $0xb8;
	[tilespmem:$0x11350] =	vst v63  }
0x9b: {  	_ =	swait.ge [sflag:s14], $0x7D0  }
0x9c: {  	[sflag:s14] =	ssyncset.done $0x0  }
0x9d: {  	[sflag:s14] =	ssyncadd.s32 $0xFFFFF830  }
0x9e: {  	_ =	swait.ge [sflag:s14], $0x7D0  }
0x9f: {  	[sflag:s14] =	ssyncset.done $0x0  }
0xa0: {  	[sflag:s14] =	ssyncadd.s32 $0xFFFFF830  }
0xa1: {  	_ =	swait.ge [sflag:s14], $0x7D0  }
0xa2: {  	[sflag:s14] =	ssyncset.done $0x0  }
0xa3: {  	[sflag:s14] =	ssyncadd.s32 $0xFFFFF830  }
0xa4: {  	_ =	swait.ge [sflag:s14], $0x7D0  }
0xa5: {  	[sflag:s14] =	ssyncset.done $0x0  }
0xa6: {  	[sflag:s14] =	ssyncadd.s32 $0xFFFFF830  }
0xa7: {  	_ =	swait.ge [sflag:s14], $0x7D0  }
0xa8: {  	[sflag:s14] =	ssyncset.done $0x0  }
0xa9: {  	[sflag:s14] =	ssyncadd.s32 $0xFFFFF830  }
0xaa: {  	_ =	swait.ge [sflag:s14], $0x7D0  }
0xab: {  	[sflag:s14] =	ssyncset.done $0x0  }
0xac: {  	[sflag:s14] =	ssyncadd.s32 $0xFFFFF830  }
0xad: {  	_ =	swait.ge [sflag:s14], $0x7D0  }
0xae: {  	[sflag:s14] =	ssyncset.done $0x0  }
0xaf: {  	[sflag:s14] =	ssyncadd.s32 $0xFFFFF830  }
0xb0: {  	_ =	swait.ge [sflag:s14], $0x7D0  }
0xb1: {  	[sflag:s14] =	ssyncset.done $0x0  }
0xb2: {  	[sflag:s14] =	ssyncadd.s32 $0xFFFFF830  }
0xb3: {  	_ =	swait.ge [sflag:s14], $0x7D0  }
0xb4: {  	[sflag:s14] =	ssyncset.done $0x0  }
0xb5: {  	[sflag:s14] =	ssyncadd.s32 $0xFFFFF830  }
0xb6: {  	_ =	swait.ge [sflag:s14], $0x7D0  }
0xb7: {  	s15 =	sadd.s32 $0x1, s15;
	[sflag:s14] =	ssyncset.done $0x0  }
0xb8: {  	p0 =	sne.s32 s15, s10;
	[sflag:s14] =	ssyncadd.s32 $0xFFFFF830  }
.Ltmp1:
0xb9: {  	[bflag:$0x0] =	sbarrier.arrive $0xFFFF;
	(pc) =	sbr.rel @p0 .LBB2_1-.Ltmp1, $4  }
0xba: {  	[hbm:s9], [sflag:s16] =	dma.local [spmem:s17], $0x4E2  }
0xbb: {  	_ =	swait.ge [sflag:s11], $0x4E2  }
0xbc: {  	[sflag:s11] =	ssyncset.done $0x0  }
0xbd: {  	[sflag:s11] =	ssyncadd.s32 $0xFFFFFB1E  }
0xbe: {  	_ =	sfence.sel $0x180000  }
0xbf: {  	[bflag:$0x0] =	sbarrier.arrive $0xFFFF  }
0xc0: {  	_ =	strace $0x9000004D  }
0xc1: {  	s0 =	stileid.u32;
	[bflag:$0x2] =	sbarrier.arrive $0xFFFF  }
0xc2: {  	p0 =	sne.s32 s0, $0x0;
	s0 =	rddreg [dreg:$0x3]  }
0xc3: {  	s0 =	sadd.s32 @!p0 $0x100000, s0  }
0xc4: {  	[sflag:s0] =	ssyncadd.tile.s32 @!p0 $0x1;
	_ =	shalt  }
.Lfunc_end2:
_tile_overlayer_lowered:
.L_overlay_start_2:
0xc5: {  	(tag) =	ssettag $0x2  }
0xc6: {  	s0 =	rddreg [dreg:$0x0];
	s2 =	stileid.u32  }
0xc7: {  	s1 =	rddreg [dreg:$0x1];
	p0 =	sne.s32 s2, $0x0  }
0xc8: {  	s3 =	rddreg [dreg:$0x2];
	[bflag:$0x3] =	sbarrier.arrive $0xFFFF;
	s2 =	simm.s32 @!p0 $0x1C03  }
0xc9: {  	[timem:s3], [sflag:s2] =	dma.local @!p0 [hbm:s0], s1  }
0xca: {  	s0 =	simm.s32 @!p0 $0x3  }
0xcb: {  	_ =	swait.ge @!p0 [sflag:s0], s1  }
0xcc: {  	s1 =	ssub.s32 @!p0 $0x0, s1;
	[sflag:s0] =	ssyncset.done @!p0 $0x0  }
0xcd: {  	[sflag:s0] =	ssyncadd.s32 @!p0 s1  }
0xce: {  	[bflag:$0x3] =	sbarrier.arrive $0xFFFF  }
0xcf: {  	_ =	shalt  }

// kernel: kernel.9.cloned.1.call-start
scs
__scs_entry_jumppad:
0x0: {  	(pc) =	sbr.rel $0x88, $3  }
0x1: {  	(tag) =	ssettag $0x0;
	lr =	simm.s32 $0x1  }
0x2: {  	[smem:$0x3F9B] =	sst lr;
	_ =	strace $0xD0000000  }
0x3: {  	_ = 	snop  }
0x4: {  	_ = 	snop  }
0x5: {  	_ = 	snop  }
0x6: {  	_ = 	snop  }
0x7: {  	_ = 	snop  }
__scs_overlays_trampoline_lowered:
0x8: {  	[smem:$0x3FAA] =	sst s0  }
0x9: {  	[smem:$0x3FAB] =	sst s1  }
0xa: {  	[smem:$0x3FAC] =	sst s2  }
0xb: {  	[smem:$0x3FAD] =	sst s3  }
0xc: {  	[smem:$0x3FAE] =	sst s4  }
0xd: {  	[smem:$0x3FAF] =	sst s5  }
0xe: {  	[smem:$0x3FB0] =	sst s6  }
0xf: {  	[smem:$0x3FB1] =	sst s7  }
0x10: {  	[smem:$0x3FB2] =	sst s8  }
0x11: {  	[smem:$0x3FB3] =	sst s9;
	s0 =	simm.s32 @!p0 $0x0  }
0x12: {  	s1 =	sld [smem:$0x3F99];
	s0 =	simm.s32 @p0 $0x1  }
0x13: {  	[smem:$0x3FB4] =	sst s0;
	s0 =	simm.s32 @!p1 $0x0  }
0x14: {  	s2 =	sld [smem:$0x3F98];
	s0 =	simm.s32 @p1 $0x1  }
0x15: {  	[smem:$0x3FB5] =	sst s0;
	s0 =	simm.s32 @!p2 $0x0  }
0x16: {  	s3 =	sld [smem:$0x3FDB];
	s0 =	simm.s32 @p2 $0x1  }
0x17: {  	s4 =	simm.s32 $0x1BF5;
	[smem:$0x3FB7] =	sst s0  }
0x18: {  	s0 =	sld [smem:$0x3F9A];
	_ =	swait.ge [sflag:s4], $0x0  }
0x19: {  	s7 =	sld [smem:$0x3F9B]  }
0x1a: {  	s8 =	sadd.s32 $0xFFFFE003, lr  }
0x1b: {  	s9 =	sadd.s32 $0xFFFFFEF7, lr;
	s5 =	simm.s32 $0xFFFFFFFF;
	p2 =	slt.u32 s8, $0xFFFFF086  }
0x1c: {  	p1 =	slt.u32 s9, $0xF7A;
	s5 =	simm.s32 @!p2 $0x0  }
0x1d: {  	s5 =	simm.s32 @p1 $0x1;
	p0 =	seq.s32 s7, s2  }
0x1e: {  	s7 =	smul.u32 @!p0 $0xF7A, s2;
	p2 =	seq.s32 @!p0 s5, $0x0  }
0x1f: {  	s9 =	smul.u32 $0xF7A, s1;
	s8 =	simm.s32 @!p0 $0x1BF5;
	p2 =	por !p2, p0  }
0x20: {  	[sflag:s8] =	ssyncset.s32 @!p0 $0xFFFFF086;
	s6 =	sadd.s32 @!p0 s3, s7;
	s7 =	simm.s32 @!p0 $0x108  }
0x21: {  	s3 =	sadd.s32 s3, s9;
	s6 =	sadd.s32 @!p0 $0x88, s6;
	s7 =	simm.s32 @p2 $0x1082  }
0x22: {  	[simem:s7], [sflag:s8] =	dma.local @!p0 [hbm:s6], $0xF7A  }
0x23: {  	s9 =	sor.u32 $0xD0000000, s2;
	s6 =	simm.s32 $0x108;
	_ =	swait.ge @!p0 [sflag:s8], $0x0  }
0x24: {  	s3 =	sadd.s32 $0x88, s3;
	s6 =	simm.s32 @!p1 $0x1082;
	[sflag:s4] =	ssyncset.s32 $0xFFFFF086  }
0x25: {  	[simem:s6], [sflag:s4] =	dma.local [hbm:s3], $0xF7A  }
0x26: {  	[smem:$0x3F9B] =	sst s1;
	(tag) =	ssettag s2;
	_ =	strace s9  }
0x27: {  	s1 =	sld [smem:$0x3FAB]  }
0x28: {  	s2 =	sld [smem:$0x3FAC]  }
0x29: {  	s4 =	sld [smem:$0x3FAE]  }
0x2a: {  	p0 =	seq.s32 s5, $0x0;
	s5 =	sld [smem:$0x3FAF]  }
0x2b: {  	s6 =	sld [smem:$0x3FB0]  }
0x2c: {  	s7 =	sld [smem:$0x3FB1]  }
0x2d: {  	s3 =	simm.s32 $0x108;
	s8 =	sld [smem:$0x3FB2]  }
0x2e: {  	s3 =	simm.s32 @!p0 $0x1082;
	s9 =	sld [smem:$0x3FB3]  }
0x2f: {  	lr =	sadd.s32 s0, s3;
	s0 =	sld [smem:$0x3FAA]  }
0x30: {  	s3 =	sld [smem:$0x3FAD]  }
0x31: {  	[smem:$0x3FB6] =	sst s10  }
0x32: {  	s10 =	sld [smem:$0x3FB4];
	_ =	sdelay $0x3  }
0x33: {  	p0 =	seq.s32 s10, $0x1;
	s10 =	sld [smem:$0x3FB6];
	_ =	sdelay $0x3  }
0x34: {  	[smem:$0x3FB6] =	sst s10  }
0x35: {  	s10 =	sld [smem:$0x3FB5];
	_ =	sdelay $0x3  }
0x36: {  	p1 =	seq.s32 s10, $0x1;
	s10 =	sld [smem:$0x3FB6];
	_ =	sdelay $0x3  }
0x37: {  	[smem:$0x3FB6] =	sst s10  }
0x38: {  	s10 =	sld [smem:$0x3FB7]  }
0x39: {  	_ = 	snop;
	(pc) =	sbr.ind lr, $3  }
0x3a: {  	_ = 	snop  }
0x3b: {  	_ = 	snop  }
0x3c: {  	p2 =	seq.s32 s10, $0x1;
	s10 =	sld [smem:$0x3FB6]  }
0x3d: {  	_ =	shalt  }
0x3e: {  	_ =	shalt  }
0x3f: {  	_ =	shalt  }
0x40: {  	_ =	shalt  }
0x41: {  	_ =	shalt  }
0x42: {  	_ =	shalt  }
0x43: {  	_ =	shalt  }
0x44: {  	_ =	shalt  }
0x45: {  	_ =	shalt  }
0x46: {  	_ =	shalt  }
0x47: {  	_ =	shalt  }
0x48: {  	_ =	shalt  }
0x49: {  	_ =	shalt  }
0x4a: {  	_ =	shalt  }
0x4b: {  	_ =	shalt  }
0x4c: {  	_ =	shalt  }
0x4d: {  	_ =	shalt  }
0x4e: {  	_ =	shalt  }
0x4f: {  	_ =	shalt  }
0x50: {  	_ =	shalt  }
0x51: {  	_ =	shalt  }
0x52: {  	_ =	shalt  }
0x53: {  	_ =	shalt  }
0x54: {  	_ =	shalt  }
0x55: {  	_ =	shalt  }
0x56: {  	_ =	shalt  }
0x57: {  	_ =	shalt  }
0x58: {  	_ =	shalt  }
0x59: {  	_ =	shalt  }
0x5a: {  	_ =	shalt  }
0x5b: {  	_ =	shalt  }
0x5c: {  	_ =	shalt  }
0x5d: {  	_ =	shalt  }
0x5e: {  	_ =	shalt  }
0x5f: {  	_ =	shalt  }
0x60: {  	_ =	shalt  }
0x61: {  	_ =	shalt  }
0x62: {  	_ =	shalt  }
0x63: {  	_ =	shalt  }
0x64: {  	_ =	shalt  }
0x65: {  	_ =	shalt  }
0x66: {  	_ =	shalt  }
0x67: {  	_ =	shalt  }
0x68: {  	_ =	shalt  }
0x69: {  	_ =	shalt  }
0x6a: {  	_ =	shalt  }
0x6b: {  	_ =	shalt  }
0x6c: {  	_ =	shalt  }
0x6d: {  	_ =	shalt  }
0x6e: {  	_ =	shalt  }
0x6f: {  	_ =	shalt  }
0x70: {  	_ =	shalt  }
0x71: {  	_ =	shalt  }
0x72: {  	_ =	shalt  }
0x73: {  	_ =	shalt  }
0x74: {  	_ =	shalt  }
0x75: {  	_ =	shalt  }
0x76: {  	_ =	shalt  }
0x77: {  	_ =	shalt  }
0x78: {  	_ =	shalt  }
0x79: {  	_ =	shalt  }
0x7a: {  	_ =	shalt  }
0x7b: {  	_ =	shalt  }
0x7c: {  	_ =	shalt  }
0x7d: {  	_ =	shalt  }
0x7e: {  	_ =	shalt  }
0x7f: {  	_ =	shalt  }
0x80: {  	_ =	shalt  }
0x81: {  	_ =	shalt  }
0x82: {  	_ =	shalt  }
0x83: {  	_ =	shalt  }
0x84: {  	_ =	shalt  }
0x85: {  	_ =	shalt  }
0x86: {  	_ =	shalt  }
0x87: {  	_ =	shalt  }
.Lfunc_end0:
.L_simem_size_0:
called_computation_lowered:
.L_overlay_start_0:
0x88: {  	s2 =	sld [smem:$0x3FD9]  }
0x89: {  	s3 =	sld [smem:$0x3FFE];
	_ =	sdelay $0x1  }
0x8a: {  	s1 =	srdreg.scid  }
0x8b: {  	s0 =	sand.u32 $0x1, s1  }
0x8c: {  	s16 =	sshll.u32 s0, $0xA;
	s2 =	sadd.s32 s3, s2  }
0x8d: {  	s2 =	sadd.s32 s2, s16  }
0x8e: {  	[smem:$0x3FC2] =	sst s2  }
0x8f: {  	_ = 	snop  }
0x90: {  	(tm) =	ssettm $0x1  }
0x91: {  	s17 =	sld [smem:$0x3FFB];
	_ =	sdelay $0x3  }
0x92: {  	_ =	strace s17  }
0x93: {  	s2 =	sld [smem:$0x3FFC];
	_ =	sdelay $0x3  }
0x94: {  	_ =	strace s2  }
0x95: {  	s2 =	sld [smem:$0x3FFD];
	_ =	sdelay $0x3  }
0x96: {  	_ =	strace s2  }
0x97: {  	_ =	strace $0x8FFFFFFF  }
0x98: {  	s18 =	sld [smem:$0x3FDB];
	_ =	sdelay $0x1  }
0x99: {  	s19 =	simm.s32 $_scs_section_size  }
0x9a: {  	s4 =	simm.s32 $_size__tile_overlayer_lowered;
	s5 =	simm.s32 $_tile_overlayer_lowered  }
0x9b: {  	s22 =	simm.s32 $0x1BFF;
	s21 =	sshll.u32 s5, $0x1;
	s2 =	sadd.s32 s19, s18  }
0x9c: {  	s6 =	simm.s32 $0x0;
	s20 =	sshll.u32 s4, $0x1;
	s4 =	sadd.s32 s21, s2  }
0x9d: {  	[timem:s6], [sflag:s22] =	dma.local [hbm:s4], s20  }
0x9e: {  	_ =	swait.ge [sflag:s22], s20  }
0x9f: {  	s3 =	ssub.s32 $0x0, s20;
	[sflag:s22] =	ssyncset.done $0x0  }
0xa0: {  	[sflag:s22] =	ssyncadd.s32 s3;
	_ =	sdelay $0x1  }
0xa1: {  	s23 =	simm.s32 $0x1B8B  }
0xa2: {  	_ =	swait.ge [sflag:s23], $0x1  }
0xa3: {  	[sflag:s23] =	ssyncset.done $0x0  }
0xa4: {  	s25 =	simm.s32 $0x1B8E;
	s24 =	sld [smem:$0x3FFE];
	[sflag:s23] =	ssyncadd.s32 $0xFFFFFFFF  }
0xa5: {  	s26 =	simm.s32 $execute0_lowered;
	[smem:$0x3FD2] =	sst s25  }
0xa6: {  	s4 =	sshll.u32 s26, $0x1;
	_ =	strace $0x80000046;
	[dreg:$0x1] =	wrdreg $0xFFFFFFFF  }
0xa7: {  	s28 =	simm.s32 $_size_execute0_lowered;
	s2 =	sadd.s32 s2, s4;
	[dreg:$0x0] =	wrdreg $0x0  }
0xa8: {  	s4 =	sshll.u32 s28, $0x1;
	[dreg:$0x2] =	wrdreg s2  }
0xa9: {  	[dreg:$0x3] =	wrdreg s4  }
0xaa: {  	[dreg:$0x4] =	wrdreg $0xC0  }
0xab: {  	_ =	task [dreg:s6], $0x5FFFF  }
0xac: {  	[dreg:$0x1] =	wrdreg $0xFFFFFFFF  }
0xad: {  	[dreg:$0x0] =	wrdreg $0x60  }
0xae: {  	[dreg:$0x2] =	wrdreg s24  }
0xaf: {  	[dreg:$0x3] =	wrdreg $0x9  }
0xb0: {  	_ =	task.clear_ibuf [dreg:s6], $0x4FFFF;
	_ =	strace $0x90000046  }
0xb1: {  	s29 =	simm.s32 $0x9;
	_ =	strace $0x80000048  }
0xb2: {  	_ =	swait.ge [sflag:s29], $0x1  }
0xb3: {  	[sflag:s29] =	ssyncadd.s32 $0xFFFFFFFF  }
0xb4: {  	_ =	strace $0x90000048  }
0xb5: {  	_ =	sfence  }
0xb6: {  	s30 =	sld [smem:$0x0];
	_ =	sdelay $0x2  }
0xb7: {  	s31 =	sshll.u32 s1, $0xD;
	s1 =	sshrl.u32 s1, $0x2  }
0xb8: {  	s3 =	sand.u32 $0x4000, s31;
	s1 =	sadd.s32 s1, s30  }
0xb9: {  	s0 =	sor.u32 s3, s0;
	s1 =	sshll.u32 s1, $0x11  }
0xba: {  	s0 =	sor.u32 s1, s0  }
0xbb: {  	s0 =	sadd.s32 $0x8F2B, s0  }
0xbc: {  	[sflag:s0] =	ssyncadd.remote.s32 $0x1  }
0xbd: {  	_ =	sfence.sel $0xFFFF  }
0xbe: {  	[dreg:$0x0] =	wrdreg $0xFFFFFFFF;
	(pc) =	sbr.abs _section_cstart, $3  }
0xbf: {  	[dreg:$0x1] =	wrdreg $0xFFFFFFFF  }
0xc0: {  	_ =	task.clear_ibuf [dreg:s6], $0x2FFFF;
	_ =	strace $0x9FFFFFFF  }
0xc1: {  	(tm) =	ssettm $0x7FFFFFFF  }
tec
execute0_lowered:
.L_overlay_start_1:
0x0: {  	(tag) =	ssettag $0x1  }
0x1: {  	s0 =	srdreg.scid;
	s4 =	rddreg [dreg:$0x0]  }
0x2: {  	s2 =	simm.s32 $0x0;
	s8 =	simm.s32 $0x2710;
	s3 =	sand.u32 $0x1, s0  }
0x3: {  	s9 =	simm.s32 $0x1;
	s0 =	stileid.u32;
	s1 =	sshll.u32 s3, $0x4  }
0x4: {  	s10 =	simm.s32 $0x4E20;
	s11 =	simm.s32 $0x7530;
	s5 =	sor.u32 s0, s1  }
0x5: {  	s12 =	simm.s32 $0x2;
	s3 =	ssub.s32 $0x2, s3;
	s5 =	smul.u32 $0x4E2, s5  }
0x6: {  	s13 =	simm.s32 $0x0;
	[smem:$0x7FF] =	sst s2;
	s31 =	sshrl.u32 s3, $0x1  }
0x7: {  	s1 =	rddreg [dreg:$0x1];
	s7 =	ssub.s32 s3, s31;
	s6 =	sadd.s32 s5, s4  }
0x8: {  	_ =	strace $0x80000047;
	s7 =	smax.u32 s7, $0x1;
	s3 =	sadd.s32 $0xC000, s6  }
0x9: {  	v0 =	vimm.f32 $0.0e+00;
	v1 =	vimm.f32 $1.000000000e+00;
	s4 =	sadd.s32 $0x2200, s6;
	s5 =	sadd.s32 $0x1FC00, s6;
	s6 =	sadd.s32 $0x15E00, s6  }
.LBB2_1:
0xa: {  	[tilespmem:s2], [sflag:$0x1] =	stream.linear.gather [hbm4b:s3+s2], $0x2710, $0x38;
	[tilespmem:$0x9C40] =	vst v63  }
0xb: {  	s14 =	simm.s32 $0x0;
	s15 =	simm.s32 $0x140  }
0xc: {  	[tilespmem:s8], [sflag:$0x1] =	stream.linear.gather [hbm4b:s4+s2], $0x2710, $0x38;
	[tilespmem:$0x9C40] =	vst v63  }
.LBB2_2:
0xd: {  	p0 =	sne.s32 s15, $0x9B00;
	[tilespmem:s14+$0x7570] =	vst v0  }
0xe: {  	[tilespmem:s14+$0x4E20] =	vst v0  }
0xf: {  	[tilespmem:s14+$0x7530] =	vst v0  }
0x10: {  	[tilespmem:s14+$0x4E30] =	vst v0  }
0x11: {  	[tilespmem:s14+$0x7540] =	vst v0  }
.Ltmp0:
0x12: {  	[tilespmem:s14+$0x4E40] =	vst v0;
	(pc) =	sbr.rel @p0 .LBB2_2-.Ltmp0, $4  }
0x13: {  	[tilespmem:s14+$0x7550] =	vst v0  }
0x14: {  	[tilespmem:s14+$0x4E50] =	vst v0  }
0x15: {  	[tilespmem:s14+$0x7560] =	vst v0  }
0x16: {  	[tilespmem:s14+$0x4E60] =	vst v0;
	s14 =	sshra.s32 s15, $0x2;
	s15 =	sadd.s32 $0x140, s15  }
0x17: {  	[tilespmem:s14+$0x7570] =	vst v0  }
0x18: {  	[tilespmem:s14+$0x4E20] =	vst v0  }
0x19: {  	[tilespmem:s14+$0x7530] =	vst v0  }
0x1a: {  	[tilespmem:s14+$0x4E30] =	vst v0  }
0x1b: {  	[tilespmem:s14+$0x7540] =	vst v0  }
0x1c: {  	[tilespmem:s14+$0x4E40] =	vst v0  }
0x1d: {  	[tilespmem:s14+$0x7550] =	vst v0  }
0x1e: {  	[tilespmem:s14+$0x4E50] =	vst v0  }
0x1f: {  	[tilespmem:s14+$0x7560] =	vst v0  }
0x20: {  	[tilespmem:s14+$0x4E60] =	vst v0  }
0x21: {  	_ =	swait.ge [sflag:s9], $0x2710  }
0x22: {  	[sflag:s9] =	ssyncset.done $0x0  }
0x23: {  	[sflag:s9] =	ssyncadd.s32 $0xFFFFD8F0  }
0x24: {  	_ =	swait.ge [sflag:s9], $0x2710  }
0x25: {  	[sflag:s9] =	ssyncset.done $0x0  }
0x26: {  	s14 =	simm.s32 $0x0;
	[sflag:s9] =	ssyncadd.s32 $0xFFFFD8F0  }
.LBB2_4:
0x27: {  	s15 =	sshra.s32 s14, $0x2  }
0x28: {  	v2 =	vld [tilespmem:s15+$0x0];
	_ =	sdelay $0x7  }
0x29: {  	[tilespmem:v2+s10+$0x0] =	vst.idx.add.f32.msk $0xffff, v1  }
0x2a: {  	v2 =	vld [tilespmem:s15+$0x2710];
	_ =	sdelay $0x7  }
0x2b: {  	[tilespmem:v2+s11+$0x0] =	vst.idx.add.f32.msk $0xffff, v1  }
0x2c: {  	v2 =	vld [tilespmem:s15+$0x10];
	_ =	sdelay $0x7  }
0x2d: {  	[tilespmem:v2+s10+$0x0] =	vst.idx.add.f32.msk $0xffff, v1  }
0x2e: {  	v2 =	vld [tilespmem:s15+$0x2720];
	_ =	sdelay $0x7  }
0x2f: {  	[tilespmem:v2+s11+$0x0] =	vst.idx.add.f32.msk $0xffff, v1  }
0x30: {  	v2 =	vld [tilespmem:s15+$0x20];
	_ =	sdelay $0x7  }
0x31: {  	[tilespmem:v2+s10+$0x0] =	vst.idx.add.f32.msk $0xffff, v1  }
0x32: {  	v2 =	vld [tilespmem:s15+$0x2730];
	_ =	sdelay $0x7  }
0x33: {  	[tilespmem:v2+s11+$0x0] =	vst.idx.add.f32.msk $0xffff, v1  }
0x34: {  	v2 =	vld [tilespmem:s15+$0x30];
	_ =	sdelay $0x7  }
0x35: {  	[tilespmem:v2+s10+$0x0] =	vst.idx.add.f32.msk $0xffff, v1  }
0x36: {  	v2 =	vld [tilespmem:s15+$0x2740];
	_ =	sdelay $0x7  }
0x37: {  	[tilespmem:v2+s11+$0x0] =	vst.idx.add.f32.msk $0xffff, v1  }
0x38: {  	v2 =	vld [tilespmem:s15+$0x40];
	_ =	sdelay $0x7  }
0x39: {  	[tilespmem:v2+s10+$0x0] =	vst.idx.add.f32.msk $0xffff, v1  }
0x3a: {  	v2 =	vld [tilespmem:s15+$0x2750];
	_ =	sdelay $0x2  }
0x3b: {  	p0 =	sne.s32 s14, $0x9B00  }
.Ltmp1:
0x3c: {  	_ = 	snop;
	(pc) =	sbr.rel @p0 .LBB2_4-.Ltmp1, $2  }
0x3d: {  	_ =	sdelay $0x2  }
0x3e: {  	s14 =	sadd.s32 $0x140, s14;
	[tilespmem:v2+s11+$0x0] =	vst.idx.add.f32.msk $0xffff, v1  }
0x3f: {  	[hbm4b:s5+s2] =	stream.linear.scatter [tilespmem:s10], [sflag:$0x2], $0x2710, $0x38;
	[tilespmem:$0x9C40] =	vst v63  }
0x40: {  	s13 =	sadd.s32 $0x1, s13;
	_ =	swait.ge [sflag:s12], $0x2710  }
0x41: {  	p0 =	sne.s32 s13, s7;
	[sflag:s12] =	ssyncset.done $0x0  }
.Ltmp2:
0x42: {  	[sflag:s12] =	ssyncadd.s32 $0xFFFFD8F0;
	(pc) =	sbr.rel @p0 .LBB2_1-.Ltmp2, $4  }
0x43: {  	[hbm4b:s6+s2] =	stream.linear.scatter [tilespmem:s11], [sflag:$0x2], $0x2710, $0x38;
	[tilespmem:$0x9C40] =	vst v63  }
0x44: {  	_ =	swait.ge [sflag:s12], $0x2710  }
0x45: {  	[sflag:s12] =	ssyncset.done $0x0  }
0x46: {  	[sflag:s12] =	ssyncadd.s32 $0xFFFFD8F0  }
0x47: {  	_ =	sfence.sel $0x180000  }
0x48: {  	[bflag:$0x0] =	sbarrier.arrive $0xFFFF  }
0x49: {  	p0 =	sne.s32 s0, $0x0;
	_ =	strace $0x90000047  }
0x4a: {  	s0 =	sadd.s32 @!p0 $0x100000, s1;
	[bflag:$0x2] =	sbarrier.arrive $0xFFFF  }
0x4b: {  	[sflag:s0] =	ssyncadd.tile.s32 @!p0 $0x1;
	_ =	shalt  }
.Lfunc_end2:
_tile_overlayer_lowered:
.L_overlay_start_2:
0x4c: {  	(tag) =	ssettag $0x2  }
0x4d: {  	s0 =	rddreg [dreg:$0x0];
	s2 =	stileid.u32  }
0x4e: {  	s1 =	rddreg [dreg:$0x1];
	p0 =	sne.s32 s2, $0x0  }
0x4f: {  	s3 =	rddreg [dreg:$0x2];
	[bflag:$0x3] =	sbarrier.arrive $0xFFFF;
	s2 =	simm.s32 @!p0 $0x1C02  }
0x50: {  	[timem:s3], [sflag:s2] =	dma.local @!p0 [hbm:s0], s1  }
0x51: {  	s0 =	simm.s32 @!p0 $0x2  }
0x52: {  	_ =	swait.ge @!p0 [sflag:s0], s1  }
0x53: {  	s1 =	ssub.s32 @!p0 $0x0, s1;
	[sflag:s0] =	ssyncset.done @!p0 $0x0  }
0x54: {  	[sflag:s0] =	ssyncadd.s32 @!p0 s1  }
0x55: {  	[bflag:$0x3] =	sbarrier.arrive $0xFFFF  }
0x56: {  	_ =	shalt  }

</sc_bundles>
